<compile_context>
chip_gen: v7x
topology: tpu7x:2x2x1
jax: 0.10.2.dev20260603
libtpu: 0.0.44.dev20260713+nightly
codegen_flags: <defaults>
</compile_context>

<pallas_src>
import jax
import jax.numpy as jnp
from jax import lax
from jax.experimental import pallas as pl
from jax.experimental.pallas import tpu as pltpu
from jax.experimental.pallas import tpu_sc as plsc

_NDB = 8432
_B, _P, _G = 64, 8192, 256
_LVL_N = (5476, 2166, 600, 150, 36, 4)
_LVL_OFF = (0, 5476, 7642, 8242, 8392, 8428)
_NC, _NS, _L = 2, 16, 16
_NW = _NC * _NS
_BPW = _B // _NW


def _pack(a, b):
    ua = lax.bitcast_convert_type(a.astype(jnp.bfloat16),
                                  jnp.uint16).astype(jnp.uint32)
    ub = lax.bitcast_convert_type(b.astype(jnp.bfloat16),
                                  jnp.uint16).astype(jnp.uint32)
    return lax.bitcast_convert_type(ua | (ub << 16), jnp.int32)


def _prep_body(db_ref, gt_ref, dbp_ref, gtp_ref):
    db = db_ref[...]
    dbp_ref[pl.ds(0, _NDB)] = _pack(db[0, :], db[1, :])
    dbp_ref[pl.ds(_NDB, _NDB)] = _pack(jnp.log(db[2, :]), jnp.log(db[3, :]))
    gt = gt_ref[...]
    gtp_ref[:, pl.ds(0, _G)] = _pack(gt[:, 0, :], gt[:, 1, :])
    gtp_ref[:, pl.ds(_G, _G)] = _pack(jnp.log(gt[:, 2, :]),
                                      jnp.log(gt[:, 3, :]))


def _lo(x):
    return plsc.bitcast(lax.shift_left(x, 16), jnp.float32)


def _hi(x):
    return plsc.bitcast(jnp.bitwise_and(x, jnp.int32(-65536)), jnp.float32)


def _sc_body(l0, l1, l2, l3, l4, l5, gtp_hbm, dbp_hbm, pr_hbm, out_hbm,
             flat_v, dbp_v, gtp_v, di_v, gi_v, out_v, sem0, sem1):
    wid = lax.axis_index("c") * _NS + lax.axis_index("s")
    levels = (l0, l1, l2, l3, l4, l5)
    cols = [jnp.full((_L,), c, jnp.int32) for c in range(4)]
    ndb_c = jnp.full((_L,), _NDB, jnp.int32)
    g_c = jnp.full((_L,), _G, jnp.int32)

    def stage(b, k, sem):
        copies = [pltpu.async_copy(lvl.at[b],
                                   flat_v[k].at[pl.ds(off * 4, n * 4)], sem)
                  for lvl, n, off in zip(levels, _LVL_N, _LVL_OFF)]
        copies.append(pltpu.async_copy(gtp_hbm.at[b], gtp_v[k], sem))
        copies.append(pltpu.async_copy(pr_hbm.at[b, 0], di_v[k], sem))
        copies.append(pltpu.async_copy(pr_hbm.at[b, 1], gi_v[k], sem))
        return copies

    def batch_loss(k):
        flat_k, gtp_k = flat_v[k], gtp_v[k]
        di_k, gi_k = di_v[k], gi_v[k]

        @plsc.parallel_loop(0, _P // _L, unroll=4,
                            carry=jnp.zeros((_L,), jnp.float32))
        def step(i, acc):
            di = di_k[pl.ds(i * _L, _L)]
            gi = gi_k[pl.ds(i * _L, _L)]
            d01 = plsc.load_gather(dbp_v, [di])
            ld23 = plsc.load_gather(dbp_v, [di + ndb_c])
            g01 = plsc.load_gather(gtp_k, [gi])
            lg23 = plsc.load_gather(gtp_k, [gi + g_c])
            ld2, ld3 = _lo(ld23), _hi(ld23)
            t0 = (_lo(g01) - _lo(d01)) * jnp.exp(-ld3)
            t1 = (_hi(g01) - _hi(d01)) * jnp.exp(-ld2)
            t2 = _lo(lg23) - ld2
            t3 = _hi(lg23) - ld3
            di4 = di * 4
            for c, t in enumerate((t0, t1, t2, t3)):
                p = plsc.load_gather(flat_k, [di4 + cols[c]])
                e = jnp.abs(p - t)
                acc = acc + jnp.where(e < 1.0, (0.5 * e) * e, e - 0.5)
            return acc

        return step

    c_db = pltpu.async_copy(dbp_hbm, dbp_v, sem0)
    cp0 = stage(wid * _BPW, 0, sem0)
    cp1 = stage(wid * _BPW + 1, 1, sem1)
    c_db.wait()
    for c in cp0:
        c.wait()
    acc = batch_loss(0)
    for c in cp1:
        c.wait()
    acc = acc + batch_loss(1)
    out_v[...] = acc
    pltpu.sync_copy(out_v, out_hbm.at[wid])


def kernel(boxes0, boxes1, boxes2, boxes3, boxes4, boxes5, gt_boxes, pairs,
           default_boxes):
    levels = [b.reshape(_B, -1)
              for b in (boxes0, boxes1, boxes2, boxes3, boxes4, boxes5)]

    dbp, gtp = pl.pallas_call(
        _prep_body,
        out_shape=[jax.ShapeDtypeStruct((2 * _NDB,), jnp.int32),
                   jax.ShapeDtypeStruct((_B, 2 * _G), jnp.int32)],
    )(default_boxes.T, gt_boxes.transpose(0, 2, 1))

    sc = pl.kernel(
        _sc_body,
        out_type=jax.ShapeDtypeStruct((_NW, _L), jnp.float32),
        mesh=plsc.VectorSubcoreMesh(core_axis_name="c", subcore_axis_name="s"),
        compiler_params=pltpu.CompilerParams(needs_layout_passes=False,
                                             use_tc_tiling_on_sc=False),
        scratch_types=[
            [pltpu.VMEM((_NDB * 4,), jnp.float32)] * 2,
            pltpu.VMEM((2 * _NDB,), jnp.int32),
            [pltpu.VMEM((2 * _G,), jnp.int32)] * 2,
            [pltpu.VMEM((_P,), jnp.int32)] * 2,
            [pltpu.VMEM((_P,), jnp.int32)] * 2,
            pltpu.VMEM((_L,), jnp.float32),
            pltpu.SemaphoreType.DMA,
            pltpu.SemaphoreType.DMA,
        ],
    )
    part = sc(*levels, gtp, dbp, pairs.transpose(0, 2, 1))
    return jnp.sum(part) / jnp.float32(_B * _P * 4)

# --- scband reference (transcript-rebuilt; emitter-appended) ---
"""Pipeline reference for scband-ssdlocal-criterion-19868518711424 (READ-ONLY COPY).

The authoritative reference and input builder live on the scoring server;
editing this copy changes nothing except your own understanding.
"""

import jax, jax.numpy as jnp
import numpy as np

SHAPES = [37, 19, 10, 5, 3, 1]
ASPECT_RATIOS = [[2], [2, 3], [2, 3], [2, 3], [2], [2]]
NB = [4, 6, 6, 6, 4, 4]
N_DB = 8432
B, P, G = 64, 8192, 256


def gen_default_boxes():
    scale_min, scale_max = 0.2, 0.9
    one_step = (scale_max - scale_min) / 5
    scales = np.arange(scale_min, scale_max + one_step + 0.01, one_step, dtype=np.float32)
    out = []
    for k, (f, ars) in enumerate(zip(SHAPES, ASPECT_RATIOS)):
        s_k = float(scales[k])
        s_k1 = float(np.sqrt(scales[k] * scales[k + 1]))
        whs = [(s_k, s_k), (s_k1, s_k1)]
        for a in ars:
            r = float(np.sqrt(a))
            whs += [(s_k * r, s_k / r), (s_k / r, s_k * r)]
        whs = np.asarray(whs, dtype=np.float32)  # [nb, 2] as (w, h)
        nb = whs.shape[0]
        c = (np.arange(f, dtype=np.float32) + 0.5) / f
        cy, cx = np.meshgrid(c, c, indexing='ij')
        cxs = np.broadcast_to(cx[:, :, None], (f, f, nb))
        cys = np.broadcast_to(cy[:, :, None], (f, f, nb))
        hs = np.broadcast_to(whs[None, None, :, 1], (f, f, nb))
        ws = np.broadcast_to(whs[None, None, :, 0], (f, f, nb))
        # layout [cx, cy, h, w] matching forward's indexing (cols 2=h, 3=w)
        out.append(np.stack([cxs, cys, hs, ws], -1).reshape(-1, 4))
    return np.concatenate(out, 0)


def setup_inputs(seed: int = 0) -> dict:
    key = jax.random.key(seed)
    ks = jax.random.split(key, 9)
    inp = {}
    for i, (f, nb) in enumerate(zip(SHAPES, NB)):
        inp['boxes%d' % i] = jax.random.normal(ks[i], (B, f, f, nb, 4), dtype=jnp.float32)
    inp['gt_boxes'] = jax.random.uniform(ks[6], (B, G, 4), minval=0.05, maxval=1.0, dtype=jnp.float32)
    db_ind = jax.random.randint(ks[7], (B, P), 0, N_DB)
    gt_ind = jax.random.randint(ks[8], (B, P), 0, G)
    inp['pairs'] = jnp.stack([db_ind, gt_ind], -1).astype(jnp.int32)
    inp['default_boxes'] = jnp.asarray(gen_default_boxes())
    return inp


def _smooth_l1(pred, target):
    d = jnp.abs(pred - target)
    return jnp.mean(jnp.where(d < 1.0, 0.5 * d * d, d - 0.5))


def reference(boxes0, boxes1, boxes2, boxes3, boxes4, boxes5, gt_boxes, pairs, default_boxes):
    levels = [boxes0, boxes1, boxes2, boxes3, boxes4, boxes5]
    flat = jnp.concatenate([b.reshape(b.shape[0], -1, 4) for b in levels], axis=1)  # [B, N_DB, 4]
    losses = []
    for b in range(flat.shape[0]):
        db_ind = pairs[b, :, 0]
        gt_ind = pairs[b, :, 1]
        gtb = gt_boxes[b]
        db = default_boxes
        cx = (gtb[gt_ind, 0] - db[db_ind, 0]) / db[db_ind, 3]
        cy = (gtb[gt_ind, 1] - db[db_ind, 1]) / db[db_ind, 2]
        h = jnp.log(gtb[gt_ind, 2] / db[db_ind, 2])
        w = jnp.log(gtb[gt_ind, 3] / db[db_ind, 3])
        tgt = jnp.stack([cx, cy, h, w], -1)
        sel = flat[b][db_ind]
        losses.append(_smooth_l1(sel, tgt))
    return jnp.mean(jnp.stack(losses))

if __name__ == "__main__":
    import jax
    _d = setup_inputs()
    print(jax.jit(kernel)(*tuple(_d.values())))

</pallas_src>

<mosaic_0001>
#map = affine_map<(d0, d1) -> (0, 0)>
#map1 = affine_map<(d0, d1) -> (0)>
#map2 = affine_map<(d0, d1) -> (0, 0, 0)>
module attributes {stable_mosaic.version = 14 : i64} {
  func.func @_sc_body(%arg0: i32, %arg1: i32, %arg2: memref<64x21904xf32, #tpu.memory_space<hbm>>, %arg3: memref<64x8664xf32, #tpu.memory_space<hbm>>, %arg4: memref<64x2400xf32, #tpu.memory_space<hbm>>, %arg5: memref<64x600xf32, #tpu.memory_space<hbm>>, %arg6: memref<64x144xf32, #tpu.memory_space<hbm>>, %arg7: memref<64x16xf32, #tpu.memory_space<hbm>>, %arg8: memref<64x512xi32, #tpu.memory_space<hbm>>, %arg9: memref<16864xi32, #tpu.memory_space<hbm>>, %arg10: memref<64x2x8192xi32, #tpu.memory_space<hbm>>, %arg11: memref<32x16xf32, #tpu.memory_space<hbm>>, %arg12: memref<33728xf32, #tpu.memory_space<vmem>>, %arg13: memref<33728xf32, #tpu.memory_space<vmem>>, %arg14: memref<16864xi32, #tpu.memory_space<vmem>>, %arg15: memref<512xi32, #tpu.memory_space<vmem>>, %arg16: memref<512xi32, #tpu.memory_space<vmem>>, %arg17: memref<8192xi32, #tpu.memory_space<vmem>>, %arg18: memref<8192xi32, #tpu.memory_space<vmem>>, %arg19: memref<8192xi32, #tpu.memory_space<vmem>>, %arg20: memref<8192xi32, #tpu.memory_space<vmem>>, %arg21: memref<16xf32, #tpu.memory_space<vmem>>, %arg22: memref<!tpu.dma_semaphore, #tpu.memory_space<semaphore_mem>>, %arg23: memref<!tpu.dma_semaphore, #tpu.memory_space<semaphore_mem>>) attributes {dimension_semantics = [#tpu.dimension_semantics<core_parallel>, #tpu.dimension_semantics<subcore_parallel>], iteration_bounds = array<i64: 2, 16>, scalar_prefetch = 0 : i64, scratch_operands = 12 : i64, tpu.core_type = #tpu.core_type<sc_vector_subcore>, window_params = [{transform_indices = #map}, {transform_indices = #map}, {transform_indices = #map}, {transform_indices = #map}, {transform_indices = #map}, {transform_indices = #map}, {transform_indices = #map}, {transform_indices = #map1}, {transform_indices = #map2}, {transform_indices = #map}]} {
    %mul3A = arith.constant 16 : i32
    %mul3A_0 = arith.muli %arg0, %mul3A : i32
    %add3A = arith.addi %mul3A_0, %arg1 : i32
    %broadcast_in_dim3A = arith.constant 0 : i32
    %broadcast_in_dim3A_1 = vector.broadcast %broadcast_in_dim3A : i32 to vector<16xi32>
    %broadcast_in_dim3A_2 = arith.constant 1 : i32
    %broadcast_in_dim3A_3 = vector.broadcast %broadcast_in_dim3A_2 : i32 to vector<16xi32>
    %broadcast_in_dim3A_4 = arith.constant 2 : i32
    %broadcast_in_dim3A_5 = vector.broadcast %broadcast_in_dim3A_4 : i32 to vector<16xi32>
    %broadcast_in_dim3A_6 = arith.constant 3 : i32
    %broadcast_in_dim3A_7 = vector.broadcast %broadcast_in_dim3A_6 : i32 to vector<16xi32>
    %broadcast_in_dim3A_8 = arith.constant 8432 : i32
    %broadcast_in_dim3A_9 = vector.broadcast %broadcast_in_dim3A_8 : i32 to vector<16xi32>
    %broadcast_in_dim3A_10 = arith.constant 256 : i32
    %broadcast_in_dim3A_11 = vector.broadcast %broadcast_in_dim3A_10 : i32 to vector<16xi32>
    tpu.enqueue_dma source(%arg9 : memref<16864xi32, #tpu.memory_space<hbm>>) target(%arg14 : memref<16864xi32, #tpu.memory_space<vmem>>) target_semaphore(%arg22 : memref<!tpu.dma_semaphore, #tpu.memory_space<semaphore_mem>>)
    %mul3A_12 = arith.constant 2 : i32
    %mul3A_13 = arith.muli %add3A, %mul3A_12 : i32
    %dma_start3A = arith.constant 0 : i32
    %dma_start3A_14 = tpu.memref_slice %arg12[%dma_start3A] : memref<33728xf32, #tpu.memory_space<vmem>> -> memref<21904xf32, #tpu.memory_space<vmem>>
    %dma_start3A_15 = arith.constant 0 : i32
    %dma_start3A_16 = tpu.memref_slice %arg2[%mul3A_13, %dma_start3A_15] : memref<64x21904xf32, #tpu.memory_space<hbm>> -> memref<1x21904xf32, #tpu.memory_space<hbm>>
    %dma_start3A_17 = tpu.memref_squeeze %dma_start3A_16 : memref<1x21904xf32, #tpu.memory_space<hbm>> -> memref<21904xf32, #tpu.memory_space<hbm>>
    %dma_start3A_18 = arith.constant 0 : i32
    %dma_start3A_19 = tpu.memref_slice %arg12[%dma_start3A_18] : memref<33728xf32, #tpu.memory_space<vmem>> -> memref<21904xf32, #tpu.memory_space<vmem>>
    %dma_start3A_20 = arith.constant 0 : i32
    %dma_start3A_21 = tpu.memref_slice %arg2[%mul3A_13, %dma_start3A_20] : memref<64x21904xf32, #tpu.memory_space<hbm>> -> memref<1x21904xf32, #tpu.memory_space<hbm>>
    %dma_start3A_22 = tpu.memref_squeeze %dma_start3A_21 : memref<1x21904xf32, #tpu.memory_space<hbm>> -> memref<21904xf32, #tpu.memory_space<hbm>>
    tpu.enqueue_dma source(%dma_start3A_22 : memref<21904xf32, #tpu.memory_space<hbm>>) target(%dma_start3A_19 : memref<21904xf32, #tpu.memory_space<vmem>>) target_semaphore(%arg22 : memref<!tpu.dma_semaphore, #tpu.memory_space<semaphore_mem>>)
    %dma_start3A_23 = arith.constant 21904 : i32
    %dma_start3A_24 = tpu.memref_slice %arg12[%dma_start3A_23] : memref<33728xf32, #tpu.memory_space<vmem>> -> memref<8664xf32, #tpu.memory_space<vmem>>
    %dma_start3A_25 = arith.constant 0 : i32
    %dma_start3A_26 = tpu.memref_slice %arg3[%mul3A_13, %dma_start3A_25] : memref<64x8664xf32, #tpu.memory_space<hbm>> -> memref<1x8664xf32, #tpu.memory_space<hbm>>
    %dma_start3A_27 = tpu.memref_squeeze %dma_start3A_26 : memref<1x8664xf32, #tpu.memory_space<hbm>> -> memref<8664xf32, #tpu.memory_space<hbm>>
    %dma_start3A_28 = arith.constant 21904 : i32
    %dma_start3A_29 = tpu.memref_slice %arg12[%dma_start3A_28] : memref<33728xf32, #tpu.memory_space<vmem>> -> memref<8664xf32, #tpu.memory_space<vmem>>
    %dma_start3A_30 = arith.constant 0 : i32
    %dma_start3A_31 = tpu.memref_slice %arg3[%mul3A_13, %dma_start3A_30] : memref<64x8664xf32, #tpu.memory_space<hbm>> -> memref<1x8664xf32, #tpu.memory_space<hbm>>
    %dma_start3A_32 = tpu.memref_squeeze %dma_start3A_31 : memref<1x8664xf32, #tpu.memory_space<hbm>> -> memref<8664xf32, #tpu.memory_space<hbm>>
    tpu.enqueue_dma source(%dma_start3A_32 : memref<8664xf32, #tpu.memory_space<hbm>>) target(%dma_start3A_29 : memref<8664xf32, #tpu.memory_space<vmem>>) target_semaphore(%arg22 : memref<!tpu.dma_semaphore, #tpu.memory_space<semaphore_mem>>)
    %dma_start3A_33 = arith.constant 30568 : i32
    %dma_start3A_34 = tpu.memref_slice %arg12[%dma_start3A_33] : memref<33728xf32, #tpu.memory_space<vmem>> -> memref<2400xf32, #tpu.memory_space<vmem>>
    %dma_start3A_35 = arith.constant 0 : i32
    %dma_start3A_36 = tpu.memref_slice %arg4[%mul3A_13, %dma_start3A_35] : memref<64x2400xf32, #tpu.memory_space<hbm>> -> memref<1x2400xf32, #tpu.memory_space<hbm>>
    %dma_start3A_37 = tpu.memref_squeeze %dma_start3A_36 : memref<1x2400xf32, #tpu.memory_space<hbm>> -> memref<2400xf32, #tpu.memory_space<hbm>>
    %dma_start3A_38 = arith.constant 30568 : i32
    %dma_start3A_39 = tpu.memref_slice %arg12[%dma_start3A_38] : memref<33728xf32, #tpu.memory_space<vmem>> -> memref<2400xf32, #tpu.memory_space<vmem>>
    %dma_start3A_40 = arith.constant 0 : i32
    %dma_start3A_41 = tpu.memref_slice %arg4[%mul3A_13, %dma_start3A_40] : memref<64x2400xf32, #tpu.memory_space<hbm>> -> memref<1x2400xf32, #tpu.memory_space<hbm>>
    %dma_start3A_42 = tpu.memref_squeeze %dma_start3A_41 : memref<1x2400xf32, #tpu.memory_space<hbm>> -> memref<2400xf32, #tpu.memory_space<hbm>>
    tpu.enqueue_dma source(%dma_start3A_42 : memref<2400xf32, #tpu.memory_space<hbm>>) target(%dma_start3A_39 : memref<2400xf32, #tpu.memory_space<vmem>>) target_semaphore(%arg22 : memref<!tpu.dma_semaphore, #tpu.memory_space<semaphore_mem>>)
    %dma_start3A_43 = arith.constant 32968 : i32
    %dma_start3A_44 = tpu.memref_slice %arg12[%dma_start3A_43] : memref<33728xf32, #tpu.memory_space<vmem>> -> memref<600xf32, #tpu.memory_space<vmem>>
    %dma_start3A_45 = arith.constant 0 : i32
    %dma_start3A_46 = tpu.memref_slice %arg5[%mul3A_13, %dma_start3A_45] : memref<64x600xf32, #tpu.memory_space<hbm>> -> memref<1x600xf32, #tpu.memory_space<hbm>>
    %dma_start3A_47 = tpu.memref_squeeze %dma_start3A_46 : memref<1x600xf32, #tpu.memory_space<hbm>> -> memref<600xf32, #tpu.memory_space<hbm>>
    %dma_start3A_48 = arith.constant 32968 : i32
    %dma_start3A_49 = tpu.memref_slice %arg12[%dma_start3A_48] : memref<33728xf32, #tpu.memory_space<vmem>> -> memref<600xf32, #tpu.memory_space<vmem>>
    %dma_start3A_50 = arith.constant 0 : i32
    %dma_start3A_51 = tpu.memref_slice %arg5[%mul3A_13, %dma_start3A_50] : memref<64x600xf32, #tpu.memory_space<hbm>> -> memref<1x600xf32, #tpu.memory_space<hbm>>
    %dma_start3A_52 = tpu.memref_squeeze %dma_start3A_51 : memref<1x600xf32, #tpu.memory_space<hbm>> -> memref<600xf32, #tpu.memory_space<hbm>>
    tpu.enqueue_dma source(%dma_start3A_52 : memref<600xf32, #tpu.memory_space<hbm>>) target(%dma_start3A_49 : memref<600xf32, #tpu.memory_space<vmem>>) target_semaphore(%arg22 : memref<!tpu.dma_semaphore, #tpu.memory_space<semaphore_mem>>)
    %dma_start3A_53 = arith.constant 33568 : i32
    %dma_start3A_54 = tpu.memref_slice %arg12[%dma_start3A_53] : memref<33728xf32, #tpu.memory_space<vmem>> -> memref<144xf32, #tpu.memory_space<vmem>>
    %dma_start3A_55 = arith.constant 0 : i32
    %dma_start3A_56 = tpu.memref_slice %arg6[%mul3A_13, %dma_start3A_55] : memref<64x144xf32, #tpu.memory_space<hbm>> -> memref<1x144xf32, #tpu.memory_space<hbm>>
    %dma_start3A_57 = tpu.memref_squeeze %dma_start3A_56 : memref<1x144xf32, #tpu.memory_space<hbm>> -> memref<144xf32, #tpu.memory_space<hbm>>
    %dma_start3A_58 = arith.constant 33568 : i32
    %dma_start3A_59 = tpu.memref_slice %arg12[%dma_start3A_58] : memref<33728xf32, #tpu.memory_space<vmem>> -> memref<144xf32, #tpu.memory_space<vmem>>
    %dma_start3A_60 = arith.constant 0 : i32
    %dma_start3A_61 = tpu.memref_slice %arg6[%mul3A_13, %dma_start3A_60] : memref<64x144xf32, #tpu.memory_space<hbm>> -> memref<1x144xf32, #tpu.memory_space<hbm>>
    %dma_start3A_62 = tpu.memref_squeeze %dma_start3A_61 : memref<1x144xf32, #tpu.memory_space<hbm>> -> memref<144xf32, #tpu.memory_space<hbm>>
    tpu.enqueue_dma source(%dma_start3A_62 : memref<144xf32, #tpu.memory_space<hbm>>) target(%dma_start3A_59 : memref<144xf32, #tpu.memory_space<vmem>>) target_semaphore(%arg22 : memref<!tpu.dma_semaphore, #tpu.memory_space<semaphore_mem>>)
    %dma_start3A_63 = arith.constant 33712 : i32
    %dma_start3A_64 = tpu.memref_slice %arg12[%dma_start3A_63] : memref<33728xf32, #tpu.memory_space<vmem>> -> memref<16xf32, #tpu.memory_space<vmem>>
    %dma_start3A_65 = arith.constant 0 : i32
    %dma_start3A_66 = tpu.memref_slice %arg7[%mul3A_13, %dma_start3A_65] : memref<64x16xf32, #tpu.memory_space<hbm>> -> memref<1x16xf32, #tpu.memory_space<hbm>>
    %dma_start3A_67 = tpu.memref_squeeze %dma_start3A_66 : memref<1x16xf32, #tpu.memory_space<hbm>> -> memref<16xf32, #tpu.memory_space<hbm>>
    %dma_start3A_68 = arith.constant 33712 : i32
    %dma_start3A_69 = tpu.memref_slice %arg12[%dma_start3A_68] : memref<33728xf32, #tpu.memory_space<vmem>> -> memref<16xf32, #tpu.memory_space<vmem>>
    %dma_start3A_70 = arith.constant 0 : i32
    %dma_start3A_71 = tpu.memref_slice %arg7[%mul3A_13, %dma_start3A_70] : memref<64x16xf32, #tpu.memory_space<hbm>> -> memref<1x16xf32, #tpu.memory_space<hbm>>
    %dma_start3A_72 = tpu.memref_squeeze %dma_start3A_71 : memref<1x16xf32, #tpu.memory_space<hbm>> -> memref<16xf32, #tpu.memory_space<hbm>>
    tpu.enqueue_dma source(%dma_start3A_72 : memref<16xf32, #tpu.memory_space<hbm>>) target(%dma_start3A_69 : memref<16xf32, #tpu.memory_space<vmem>>) target_semaphore(%arg22 : memref<!tpu.dma_semaphore, #tpu.memory_space<semaphore_mem>>)
    %dma_start3A_73 = arith.constant 0 : i32
    %dma_start3A_74 = tpu.memref_slice %arg8[%mul3A_13, %dma_start3A_73] : memref<64x512xi32, #tpu.memory_space<hbm>> -> memref<1x512xi32, #tpu.memory_space<hbm>>
    %dma_start3A_75 = tpu.memref_squeeze %dma_start3A_74 : memref<1x512xi32, #tpu.memory_space<hbm>> -> memref<512xi32, #tpu.memory_space<hbm>>
    %dma_start3A_76 = arith.constant 0 : i32
    %dma_start3A_77 = tpu.memref_slice %arg8[%mul3A_13, %dma_start3A_76] : memref<64x512xi32, #tpu.memory_space<hbm>> -> memref<1x512xi32, #tpu.memory_space<hbm>>
    %dma_start3A_78 = tpu.memref_squeeze %dma_start3A_77 : memref<1x512xi32, #tpu.memory_space<hbm>> -> memref<512xi32, #tpu.memory_space<hbm>>
    tpu.enqueue_dma source(%dma_start3A_78 : memref<512xi32, #tpu.memory_space<hbm>>) target(%arg15 : memref<512xi32, #tpu.memory_space<vmem>>) target_semaphore(%arg22 : memref<!tpu.dma_semaphore, #tpu.memory_space<semaphore_mem>>)
    %dma_start3A_79 = arith.constant 0 : i32
    %dma_start3A_80 = arith.constant 0 : i32
    %dma_start3A_81 = tpu.memref_slice %arg10[%mul3A_13, %dma_start3A_79, %dma_start3A_80] : memref<64x2x8192xi32, #tpu.memory_space<hbm>> -> memref<1x1x8192xi32, #tpu.memory_space<hbm>>
    %dma_start3A_82 = tpu.memref_squeeze %dma_start3A_81 : memref<1x1x8192xi32, #tpu.memory_space<hbm>> -> memref<8192xi32, #tpu.memory_space<hbm>>
    %dma_start3A_83 = arith.constant 0 : i32
    %dma_start3A_84 = tpu.memref_slice %arg10[%mul3A_13, %dma_start3A_79, %dma_start3A_83] : memref<64x2x8192xi32, #tpu.memory_space<hbm>> -> memref<1x1x8192xi32, #tpu.memory_space<hbm>>
    %dma_start3A_85 = tpu.memref_squeeze %dma_start3A_84 : memref<1x1x8192xi32, #tpu.memory_space<hbm>> -> memref<8192xi32, #tpu.memory_space<hbm>>
    tpu.enqueue_dma source(%dma_start3A_85 : memref<8192xi32, #tpu.memory_space<hbm>>) target(%arg17 : memref<8192xi32, #tpu.memory_space<vmem>>) target_semaphore(%arg22 : memref<!tpu.dma_semaphore, #tpu.memory_space<semaphore_mem>>)
    %dma_start3A_86 = arith.constant 1 : i32
    %dma_start3A_87 = arith.constant 0 : i32
    %dma_start3A_88 = tpu.memref_slice %arg10[%mul3A_13, %dma_start3A_86, %dma_start3A_87] : memref<64x2x8192xi32, #tpu.memory_space<hbm>> -> memref<1x1x8192xi32, #tpu.memory_space<hbm>>
    %dma_start3A_89 = tpu.memref_squeeze %dma_start3A_88 : memref<1x1x8192xi32, #tpu.memory_space<hbm>> -> memref<8192xi32, #tpu.memory_space<hbm>>
    %dma_start3A_90 = arith.constant 0 : i32
    %dma_start3A_91 = tpu.memref_slice %arg10[%mul3A_13, %dma_start3A_86, %dma_start3A_90] : memref<64x2x8192xi32, #tpu.memory_space<hbm>> -> memref<1x1x8192xi32, #tpu.memory_space<hbm>>
    %dma_start3A_92 = tpu.memref_squeeze %dma_start3A_91 : memref<1x1x8192xi32, #tpu.memory_space<hbm>> -> memref<8192xi32, #tpu.memory_space<hbm>>
    tpu.enqueue_dma source(%dma_start3A_92 : memref<8192xi32, #tpu.memory_space<hbm>>) target(%arg19 : memref<8192xi32, #tpu.memory_space<vmem>>) target_semaphore(%arg22 : memref<!tpu.dma_semaphore, #tpu.memory_space<semaphore_mem>>)
    %mul3A_93 = arith.constant 2 : i32
    %mul3A_94 = arith.muli %add3A, %mul3A_93 : i32
    %add3A_95 = arith.constant 1 : i32
    %add3A_96 = arith.addi %mul3A_94, %add3A_95 : i32
    %dma_start3A_97 = arith.constant 0 : i32
    %dma_start3A_98 = tpu.memref_slice %arg13[%dma_start3A_97] : memref<33728xf32, #tpu.memory_space<vmem>> -> memref<21904xf32, #tpu.memory_space<vmem>>
    %dma_start3A_99 = arith.constant 0 : i32
    %dma_start3A_100 = tpu.memref_slice %arg2[%add3A_96, %dma_start3A_99] : memref<64x21904xf32, #tpu.memory_space<hbm>> -> memref<1x21904xf32, #tpu.memory_space<hbm>>
    %dma_start3A_101 = tpu.memref_squeeze %dma_start3A_100 : memref<1x21904xf32, #tpu.memory_space<hbm>> -> memref<21904xf32, #tpu.memory_space<hbm>>
    %dma_start3A_102 = arith.constant 0 : i32
    %dma_start3A_103 = tpu.memref_slice %arg13[%dma_start3A_102] : memref<33728xf32, #tpu.memory_space<vmem>> -> memref<21904xf32, #tpu.memory_space<vmem>>
    %dma_start3A_104 = arith.constant 0 : i32
    %dma_start3A_105 = tpu.memref_slice %arg2[%add3A_96, %dma_start3A_104] : memref<64x21904xf32, #tpu.memory_space<hbm>> -> memref<1x21904xf32, #tpu.memory_space<hbm>>
    %dma_start3A_106 = tpu.memref_squeeze %dma_start3A_105 : memref<1x21904xf32, #tpu.memory_space<hbm>> -> memref<21904xf32, #tpu.memory_space<hbm>>
    tpu.enqueue_dma source(%dma_start3A_106 : memref<21904xf32, #tpu.memory_space<hbm>>) target(%dma_start3A_103 : memref<21904xf32, #tpu.memory_space<vmem>>) target_semaphore(%arg23 : memref<!tpu.dma_semaphore, #tpu.memory_space<semaphore_mem>>)
    %dma_start3A_107 = arith.constant 21904 : i32
    %dma_start3A_108 = tpu.memref_slice %arg13[%dma_start3A_107] : memref<33728xf32, #tpu.memory_space<vmem>> -> memref<8664xf32, #tpu.memory_space<vmem>>
    %dma_start3A_109 = arith.constant 0 : i32
    %dma_start3A_110 = tpu.memref_slice %arg3[%add3A_96, %dma_start3A_109] : memref<64x8664xf32, #tpu.memory_space<hbm>> -> memref<1x8664xf32, #tpu.memory_space<hbm>>
    %dma_start3A_111 = tpu.memref_squeeze %dma_start3A_110 : memref<1x8664xf32, #tpu.memory_space<hbm>> -> memref<8664xf32, #tpu.memory_space<hbm>>
    %dma_start3A_112 = arith.constant 21904 : i32
    %dma_start3A_113 = tpu.memref_slice %arg13[%dma_start3A_112] : memref<33728xf32, #tpu.memory_space<vmem>> -> memref<8664xf32, #tpu.memory_space<vmem>>
    %dma_start3A_114 = arith.constant 0 : i32
    %dma_start3A_115 = tpu.memref_slice %arg3[%add3A_96, %dma_start3A_114] : memref<64x8664xf32, #tpu.memory_space<hbm>> -> memref<1x8664xf32, #tpu.memory_space<hbm>>
    %dma_start3A_116 = tpu.memref_squeeze %dma_start3A_115 : memref<1x8664xf32, #tpu.memory_space<hbm>> -> memref<8664xf32, #tpu.memory_space<hbm>>
    tpu.enqueue_dma source(%dma_start3A_116 : memref<8664xf32, #tpu.memory_space<hbm>>) target(%dma_start3A_113 : memref<8664xf32, #tpu.memory_space<vmem>>) target_semaphore(%arg23 : memref<!tpu.dma_semaphore, #tpu.memory_space<semaphore_mem>>)
    %dma_start3A_117 = arith.constant 30568 : i32
    %dma_start3A_118 = tpu.memref_slice %arg13[%dma_start3A_117] : memref<33728xf32, #tpu.memory_space<vmem>> -> memref<2400xf32, #tpu.memory_space<vmem>>
    %dma_start3A_119 = arith.constant 0 : i32
    %dma_start3A_120 = tpu.memref_slice %arg4[%add3A_96, %dma_start3A_119] : memref<64x2400xf32, #tpu.memory_space<hbm>> -> memref<1x2400xf32, #tpu.memory_space<hbm>>
    %dma_start3A_121 = tpu.memref_squeeze %dma_start3A_120 : memref<1x2400xf32, #tpu.memory_space<hbm>> -> memref<2400xf32, #tpu.memory_space<hbm>>
    %dma_start3A_122 = arith.constant 30568 : i32
    %dma_start3A_123 = tpu.memref_slice %arg13[%dma_start3A_122] : memref<33728xf32, #tpu.memory_space<vmem>> -> memref<2400xf32, #tpu.memory_space<vmem>>
    %dma_start3A_124 = arith.constant 0 : i32
    %dma_start3A_125 = tpu.memref_slice %arg4[%add3A_96, %dma_start3A_124] : memref<64x2400xf32, #tpu.memory_space<hbm>> -> memref<1x2400xf32, #tpu.memory_space<hbm>>
    %dma_start3A_126 = tpu.memref_squeeze %dma_start3A_125 : memref<1x2400xf32, #tpu.memory_space<hbm>> -> memref<2400xf32, #tpu.memory_space<hbm>>
    tpu.enqueue_dma source(%dma_start3A_126 : memref<2400xf32, #tpu.memory_space<hbm>>) target(%dma_start3A_123 : memref<2400xf32, #tpu.memory_space<vmem>>) target_semaphore(%arg23 : memref<!tpu.dma_semaphore, #tpu.memory_space<semaphore_mem>>)
    %dma_start3A_127 = arith.constant 32968 : i32
    %dma_start3A_128 = tpu.memref_slice %arg13[%dma_start3A_127] : memref<33728xf32, #tpu.memory_space<vmem>> -> memref<600xf32, #tpu.memory_space<vmem>>
    %dma_start3A_129 = arith.constant 0 : i32
    %dma_start3A_130 = tpu.memref_slice %arg5[%add3A_96, %dma_start3A_129] : memref<64x600xf32, #tpu.memory_space<hbm>> -> memref<1x600xf32, #tpu.memory_space<hbm>>
    %dma_start3A_131 = tpu.memref_squeeze %dma_start3A_130 : memref<1x600xf32, #tpu.memory_space<hbm>> -> memref<600xf32, #tpu.memory_space<hbm>>
    %dma_start3A_132 = arith.constant 32968 : i32
    %dma_start3A_133 = tpu.memref_slice %arg13[%dma_start3A_132] : memref<33728xf32, #tpu.memory_space<vmem>> -> memref<600xf32, #tpu.memory_space<vmem>>
    %dma_start3A_134 = arith.constant 0 : i32
    %dma_start3A_135 = tpu.memref_slice %arg5[%add3A_96, %dma_start3A_134] : memref<64x600xf32, #tpu.memory_space<hbm>> -> memref<1x600xf32, #tpu.memory_space<hbm>>
    %dma_start3A_136 = tpu.memref_squeeze %dma_start3A_135 : memref<1x600xf32, #tpu.memory_space<hbm>> -> memref<600xf32, #tpu.memory_space<hbm>>
    tpu.enqueue_dma source(%dma_start3A_136 : memref<600xf32, #tpu.memory_space<hbm>>) target(%dma_start3A_133 : memref<600xf32, #tpu.memory_space<vmem>>) target_semaphore(%arg23 : memref<!tpu.dma_semaphore, #tpu.memory_space<semaphore_mem>>)
    %dma_start3A_137 = arith.constant 33568 : i32
    %dma_start3A_138 = tpu.memref_slice %arg13[%dma_start3A_137] : memref<33728xf32, #tpu.memory_space<vmem>> -> memref<144xf32, #tpu.memory_space<vmem>>
    %dma_start3A_139 = arith.constant 0 : i32
    %dma_start3A_140 = tpu.memref_slice %arg6[%add3A_96, %dma_start3A_139] : memref<64x144xf32, #tpu.memory_space<hbm>> -> memref<1x144xf32, #tpu.memory_space<hbm>>
    %dma_start3A_141 = tpu.memref_squeeze %dma_start3A_140 : memref<1x144xf32, #tpu.memory_space<hbm>> -> memref<144xf32, #tpu.memory_space<hbm>>
    %dma_start3A_142 = arith.constant 33568 : i32
    %dma_start3A_143 = tpu.memref_slice %arg13[%dma_start3A_142] : memref<33728xf32, #tpu.memory_space<vmem>> -> memref<144xf32, #tpu.memory_space<vmem>>
    %dma_start3A_144 = arith.constant 0 : i32
    %dma_start3A_145 = tpu.memref_slice %arg6[%add3A_96, %dma_start3A_144] : memref<64x144xf32, #tpu.memory_space<hbm>> -> memref<1x144xf32, #tpu.memory_space<hbm>>
    %dma_start3A_146 = tpu.memref_squeeze %dma_start3A_145 : memref<1x144xf32, #tpu.memory_space<hbm>> -> memref<144xf32, #tpu.memory_space<hbm>>
    tpu.enqueue_dma source(%dma_start3A_146 : memref<144xf32, #tpu.memory_space<hbm>>) target(%dma_start3A_143 : memref<144xf32, #tpu.memory_space<vmem>>) target_semaphore(%arg23 : memref<!tpu.dma_semaphore, #tpu.memory_space<semaphore_mem>>)
    %dma_start3A_147 = arith.constant 33712 : i32
    %dma_start3A_148 = tpu.memref_slice %arg13[%dma_start3A_147] : memref<33728xf32, #tpu.memory_space<vmem>> -> memref<16xf32, #tpu.memory_space<vmem>>
    %dma_start3A_149 = arith.constant 0 : i32
    %dma_start3A_150 = tpu.memref_slice %arg7[%add3A_96, %dma_start3A_149] : memref<64x16xf32, #tpu.memory_space<hbm>> -> memref<1x16xf32, #tpu.memory_space<hbm>>
    %dma_start3A_151 = tpu.memref_squeeze %dma_start3A_150 : memref<1x16xf32, #tpu.memory_space<hbm>> -> memref<16xf32, #tpu.memory_space<hbm>>
    %dma_start3A_152 = arith.constant 33712 : i32
    %dma_start3A_153 = tpu.memref_slice %arg13[%dma_start3A_152] : memref<33728xf32, #tpu.memory_space<vmem>> -> memref<16xf32, #tpu.memory_space<vmem>>
    %dma_start3A_154 = arith.constant 0 : i32
    %dma_start3A_155 = tpu.memref_slice %arg7[%add3A_96, %dma_start3A_154] : memref<64x16xf32, #tpu.memory_space<hbm>> -> memref<1x16xf32, #tpu.memory_space<hbm>>
    %dma_start3A_156 = tpu.memref_squeeze %dma_start3A_155 : memref<1x16xf32, #tpu.memory_space<hbm>> -> memref<16xf32, #tpu.memory_space<hbm>>
    tpu.enqueue_dma source(%dma_start3A_156 : memref<16xf32, #tpu.memory_space<hbm>>) target(%dma_start3A_153 : memref<16xf32, #tpu.memory_space<vmem>>) target_semaphore(%arg23 : memref<!tpu.dma_semaphore, #tpu.memory_space<semaphore_mem>>)
    %dma_start3A_157 = arith.constant 0 : i32
    %dma_start3A_158 = tpu.memref_slice %arg8[%add3A_96, %dma_start3A_157] : memref<64x512xi32, #tpu.memory_space<hbm>> -> memref<1x512xi32, #tpu.memory_space<hbm>>
    %dma_start3A_159 = tpu.memref_squeeze %dma_start3A_158 : memref<1x512xi32, #tpu.memory_space<hbm>> -> memref<512xi32, #tpu.memory_space<hbm>>
    %dma_start3A_160 = arith.constant 0 : i32
    %dma_start3A_161 = tpu.memref_slice %arg8[%add3A_96, %dma_start3A_160] : memref<64x512xi32, #tpu.memory_space<hbm>> -> memref<1x512xi32, #tpu.memory_space<hbm>>
    %dma_start3A_162 = tpu.memref_squeeze %dma_start3A_161 : memref<1x512xi32, #tpu.memory_space<hbm>> -> memref<512xi32, #tpu.memory_space<hbm>>
    tpu.enqueue_dma source(%dma_start3A_162 : memref<512xi32, #tpu.memory_space<hbm>>) target(%arg16 : memref<512xi32, #tpu.memory_space<vmem>>) target_semaphore(%arg23 : memref<!tpu.dma_semaphore, #tpu.memory_space<semaphore_mem>>)
    %dma_start3A_163 = arith.constant 0 : i32
    %dma_start3A_164 = arith.constant 0 : i32
    %dma_start3A_165 = tpu.memref_slice %arg10[%add3A_96, %dma_start3A_163, %dma_start3A_164] : memref<64x2x8192xi32, #tpu.memory_space<hbm>> -> memref<1x1x8192xi32, #tpu.memory_space<hbm>>
    %dma_start3A_166 = tpu.memref_squeeze %dma_start3A_165 : memref<1x1x8192xi32, #tpu.memory_space<hbm>> -> memref<8192xi32, #tpu.memory_space<hbm>>
    %dma_start3A_167 = arith.constant 0 : i32
    %dma_start3A_168 = tpu.memref_slice %arg10[%add3A_96, %dma_start3A_163, %dma_start3A_167] : memref<64x2x8192xi32, #tpu.memory_space<hbm>> -> memref<1x1x8192xi32, #tpu.memory_space<hbm>>
    %dma_start3A_169 = tpu.memref_squeeze %dma_start3A_168 : memref<1x1x8192xi32, #tpu.memory_space<hbm>> -> memref<8192xi32, #tpu.memory_space<hbm>>
    tpu.enqueue_dma source(%dma_start3A_169 : memref<8192xi32, #tpu.memory_space<hbm>>) target(%arg18 : memref<8192xi32, #tpu.memory_space<vmem>>) target_semaphore(%arg23 : memref<!tpu.dma_semaphore, #tpu.memory_space<semaphore_mem>>)
    %dma_start3A_170 = arith.constant 1 : i32
    %dma_start3A_171 = arith.constant 0 : i32
    %dma_start3A_172 = tpu.memref_slice %arg10[%add3A_96, %dma_start3A_170, %dma_start3A_171] : memref<64x2x8192xi32, #tpu.memory_space<hbm>> -> memref<1x1x8192xi32, #tpu.memory_space<hbm>>
    %dma_start3A_173 = tpu.memref_squeeze %dma_start3A_172 : memref<1x1x8192xi32, #tpu.memory_space<hbm>> -> memref<8192xi32, #tpu.memory_space<hbm>>
    %dma_start3A_174 = arith.constant 0 : i32
    %dma_start3A_175 = tpu.memref_slice %arg10[%add3A_96, %dma_start3A_170, %dma_start3A_174] : memref<64x2x8192xi32, #tpu.memory_space<hbm>> -> memref<1x1x8192xi32, #tpu.memory_space<hbm>>
    %dma_start3A_176 = tpu.memref_squeeze %dma_start3A_175 : memref<1x1x8192xi32, #tpu.memory_space<hbm>> -> memref<8192xi32, #tpu.memory_space<hbm>>
    tpu.enqueue_dma source(%dma_start3A_176 : memref<8192xi32, #tpu.memory_space<hbm>>) target(%arg20 : memref<8192xi32, #tpu.memory_space<vmem>>) target_semaphore(%arg23 : memref<!tpu.dma_semaphore, #tpu.memory_space<semaphore_mem>>)
    tpu.wait_dma2 semaphore(%arg22 : memref<!tpu.dma_semaphore, #tpu.memory_space<semaphore_mem>>) src(%arg9 : memref<16864xi32, #tpu.memory_space<hbm>>) dst(%arg14 : memref<16864xi32, #tpu.memory_space<vmem>>)
    %dma_wait3A = arith.constant 0 : i32
    %dma_wait3A_177 = tpu.memref_slice %arg12[%dma_wait3A] : memref<33728xf32, #tpu.memory_space<vmem>> -> memref<21904xf32, #tpu.memory_space<vmem>>
    %dma_wait3A_178 = arith.constant 0 : i32
    %dma_wait3A_179 = tpu.memref_slice %arg2[%mul3A_13, %dma_wait3A_178] : memref<64x21904xf32, #tpu.memory_space<hbm>> -> memref<1x21904xf32, #tpu.memory_space<hbm>>
    %dma_wait3A_180 = tpu.memref_squeeze %dma_wait3A_179 : memref<1x21904xf32, #tpu.memory_space<hbm>> -> memref<21904xf32, #tpu.memory_space<hbm>>
    %dma_wait3A_181 = arith.constant 0 : i32
    %dma_wait3A_182 = tpu.memref_slice %arg12[%dma_wait3A_181] : memref<33728xf32, #tpu.memory_space<vmem>> -> memref<21904xf32, #tpu.memory_space<vmem>>
    %dma_wait3A_183 = arith.constant 0 : i32
    %dma_wait3A_184 = tpu.memref_slice %arg2[%mul3A_13, %dma_wait3A_183] : memref<64x21904xf32, #tpu.memory_space<hbm>> -> memref<1x21904xf32, #tpu.memory_space<hbm>>
    %dma_wait3A_185 = tpu.memref_squeeze %dma_wait3A_184 : memref<1x21904xf32, #tpu.memory_space<hbm>> -> memref<21904xf32, #tpu.memory_space<hbm>>
    tpu.wait_dma2 semaphore(%arg22 : memref<!tpu.dma_semaphore, #tpu.memory_space<semaphore_mem>>) src(%dma_wait3A_185 : memref<21904xf32, #tpu.memory_space<hbm>>) dst(%dma_wait3A_182 : memref<21904xf32, #tpu.memory_space<vmem>>)
    %dma_wait3A_186 = arith.constant 21904 : i32
    %dma_wait3A_187 = tpu.memref_slice %arg12[%dma_wait3A_186] : memref<33728xf32, #tpu.memory_space<vmem>> -> memref<8664xf32, #tpu.memory_space<vmem>>
    %dma_wait3A_188 = arith.constant 0 : i32
    %dma_wait3A_189 = tpu.memref_slice %arg3[%mul3A_13, %dma_wait3A_188] : memref<64x8664xf32, #tpu.memory_space<hbm>> -> memref<1x8664xf32, #tpu.memory_space<hbm>>
    %dma_wait3A_190 = tpu.memref_squeeze %dma_wait3A_189 : memref<1x8664xf32, #tpu.memory_space<hbm>> -> memref<8664xf32, #tpu.memory_space<hbm>>
    %dma_wait3A_191 = arith.constant 21904 : i32
    %dma_wait3A_192 = tpu.memref_slice %arg12[%dma_wait3A_191] : memref<33728xf32, #tpu.memory_space<vmem>> -> memref<8664xf32, #tpu.memory_space<vmem>>
    %dma_wait3A_193 = arith.constant 0 : i32
    %dma_wait3A_194 = tpu.memref_slice %arg3[%mul3A_13, %dma_wait3A_193] : memref<64x8664xf32, #tpu.memory_space<hbm>> -> memref<1x8664xf32, #tpu.memory_space<hbm>>
    %dma_wait3A_195 = tpu.memref_squeeze %dma_wait3A_194 : memref<1x8664xf32, #tpu.memory_space<hbm>> -> memref<8664xf32, #tpu.memory_space<hbm>>
    tpu.wait_dma2 semaphore(%arg22 : memref<!tpu.dma_semaphore, #tpu.memory_space<semaphore_mem>>) src(%dma_wait3A_195 : memref<8664xf32, #tpu.memory_space<hbm>>) dst(%dma_wait3A_192 : memref<8664xf32, #tpu.memory_space<vmem>>)
    %dma_wait3A_196 = arith.constant 30568 : i32
    %dma_wait3A_197 = tpu.memref_slice %arg12[%dma_wait3A_196] : memref<33728xf32, #tpu.memory_space<vmem>> -> memref<2400xf32, #tpu.memory_space<vmem>>
    %dma_wait3A_198 = arith.constant 0 : i32
    %dma_wait3A_199 = tpu.memref_slice %arg4[%mul3A_13, %dma_wait3A_198] : memref<64x2400xf32, #tpu.memory_space<hbm>> -> memref<1x2400xf32, #tpu.memory_space<hbm>>
    %dma_wait3A_200 = tpu.memref_squeeze %dma_wait3A_199 : memref<1x2400xf32, #tpu.memory_space<hbm>> -> memref<2400xf32, #tpu.memory_space<hbm>>
    %dma_wait3A_201 = arith.constant 30568 : i32
    %dma_wait3A_202 = tpu.memref_slice %arg12[%dma_wait3A_201] : memref<33728xf32, #tpu.memory_space<vmem>> -> memref<2400xf32, #tpu.memory_space<vmem>>
    %dma_wait3A_203 = arith.constant 0 : i32
    %dma_wait3A_204 = tpu.memref_slice %arg4[%mul3A_13, %dma_wait3A_203] : memref<64x2400xf32, #tpu.memory_space<hbm>> -> memref<1x2400xf32, #tpu.memory_space<hbm>>
    %dma_wait3A_205 = tpu.memref_squeeze %dma_wait3A_204 : memref<1x2400xf32, #tpu.memory_space<hbm>> -> memref<2400xf32, #tpu.memory_space<hbm>>
    tpu.wait_dma2 semaphore(%arg22 : memref<!tpu.dma_semaphore, #tpu.memory_space<semaphore_mem>>) src(%dma_wait3A_205 : memref<2400xf32, #tpu.memory_space<hbm>>) dst(%dma_wait3A_202 : memref<2400xf32, #tpu.memory_space<vmem>>)
    %dma_wait3A_206 = arith.constant 32968 : i32
    %dma_wait3A_207 = tpu.memref_slice %arg12[%dma_wait3A_206] : memref<33728xf32, #tpu.memory_space<vmem>> -> memref<600xf32, #tpu.memory_space<vmem>>
    %dma_wait3A_208 = arith.constant 0 : i32
    %dma_wait3A_209 = tpu.memref_slice %arg5[%mul3A_13, %dma_wait3A_208] : memref<64x600xf32, #tpu.memory_space<hbm>> -> memref<1x600xf32, #tpu.memory_space<hbm>>
    %dma_wait3A_210 = tpu.memref_squeeze %dma_wait3A_209 : memref<1x600xf32, #tpu.memory_space<hbm>> -> memref<600xf32, #tpu.memory_space<hbm>>
    %dma_wait3A_211 = arith.constant 32968 : i32
    %dma_wait3A_212 = tpu.memref_slice %arg12[%dma_wait3A_211] : memref<33728xf32, #tpu.memory_space<vmem>> -> memref<600xf32, #tpu.memory_space<vmem>>
    %dma_wait3A_213 = arith.constant 0 : i32
    %dma_wait3A_214 = tpu.memref_slice %arg5[%mul3A_13, %dma_wait3A_213] : memref<64x600xf32, #tpu.memory_space<hbm>> -> memref<1x600xf32, #tpu.memory_space<hbm>>
    %dma_wait3A_215 = tpu.memref_squeeze %dma_wait3A_214 : memref<1x600xf32, #tpu.memory_space<hbm>> -> memref<600xf32, #tpu.memory_space<hbm>>
    tpu.wait_dma2 semaphore(%arg22 : memref<!tpu.dma_semaphore, #tpu.memory_space<semaphore_mem>>) src(%dma_wait3A_215 : memref<600xf32, #tpu.memory_space<hbm>>) dst(%dma_wait3A_212 : memref<600xf32, #tpu.memory_space<vmem>>)
    %dma_wait3A_216 = arith.constant 33568 : i32
    %dma_wait3A_217 = tpu.memref_slice %arg12[%dma_wait3A_216] : memref<33728xf32, #tpu.memory_space<vmem>> -> memref<144xf32, #tpu.memory_space<vmem>>
    %dma_wait3A_218 = arith.constant 0 : i32
    %dma_wait3A_219 = tpu.memref_slice %arg6[%mul3A_13, %dma_wait3A_218] : memref<64x144xf32, #tpu.memory_space<hbm>> -> memref<1x144xf32, #tpu.memory_space<hbm>>
    %dma_wait3A_220 = tpu.memref_squeeze %dma_wait3A_219 : memref<1x144xf32, #tpu.memory_space<hbm>> -> memref<144xf32, #tpu.memory_space<hbm>>
    %dma_wait3A_221 = arith.constant 33568 : i32
    %dma_wait3A_222 = tpu.memref_slice %arg12[%dma_wait3A_221] : memref<33728xf32, #tpu.memory_space<vmem>> -> memref<144xf32, #tpu.memory_space<vmem>>
    %dma_wait3A_223 = arith.constant 0 : i32
    %dma_wait3A_224 = tpu.memref_slice %arg6[%mul3A_13, %dma_wait3A_223] : memref<64x144xf32, #tpu.memory_space<hbm>> -> memref<1x144xf32, #tpu.memory_space<hbm>>
    %dma_wait3A_225 = tpu.memref_squeeze %dma_wait3A_224 : memref<1x144xf32, #tpu.memory_space<hbm>> -> memref<144xf32, #tpu.memory_space<hbm>>
    tpu.wait_dma2 semaphore(%arg22 : memref<!tpu.dma_semaphore, #tpu.memory_space<semaphore_mem>>) src(%dma_wait3A_225 : memref<144xf32, #tpu.memory_space<hbm>>) dst(%dma_wait3A_222 : memref<144xf32, #tpu.memory_space<vmem>>)
    %dma_wait3A_226 = arith.constant 33712 : i32
    %dma_wait3A_227 = tpu.memref_slice %arg12[%dma_wait3A_226] : memref<33728xf32, #tpu.memory_space<vmem>> -> memref<16xf32, #tpu.memory_space<vmem>>
    %dma_wait3A_228 = arith.constant 0 : i32
    %dma_wait3A_229 = tpu.memref_slice %arg7[%mul3A_13, %dma_wait3A_228] : memref<64x16xf32, #tpu.memory_space<hbm>> -> memref<1x16xf32, #tpu.memory_space<hbm>>
    %dma_wait3A_230 = tpu.memref_squeeze %dma_wait3A_229 : memref<1x16xf32, #tpu.memory_space<hbm>> -> memref<16xf32, #tpu.memory_space<hbm>>
    %dma_wait3A_231 = arith.constant 33712 : i32
    %dma_wait3A_232 = tpu.memref_slice %arg12[%dma_wait3A_231] : memref<33728xf32, #tpu.memory_space<vmem>> -> memref<16xf32, #tpu.memory_space<vmem>>
    %dma_wait3A_233 = arith.constant 0 : i32
    %dma_wait3A_234 = tpu.memref_slice %arg7[%mul3A_13, %dma_wait3A_233] : memref<64x16xf32, #tpu.memory_space<hbm>> -> memref<1x16xf32, #tpu.memory_space<hbm>>
    %dma_wait3A_235 = tpu.memref_squeeze %dma_wait3A_234 : memref<1x16xf32, #tpu.memory_space<hbm>> -> memref<16xf32, #tpu.memory_space<hbm>>
    tpu.wait_dma2 semaphore(%arg22 : memref<!tpu.dma_semaphore, #tpu.memory_space<semaphore_mem>>) src(%dma_wait3A_235 : memref<16xf32, #tpu.memory_space<hbm>>) dst(%dma_wait3A_232 : memref<16xf32, #tpu.memory_space<vmem>>)
    %dma_wait3A_236 = arith.constant 0 : i32
    %dma_wait3A_237 = tpu.memref_slice %arg8[%mul3A_13, %dma_wait3A_236] : memref<64x512xi32, #tpu.memory_space<hbm>> -> memref<1x512xi32, #tpu.memory_space<hbm>>
    %dma_wait3A_238 = tpu.memref_squeeze %dma_wait3A_237 : memref<1x512xi32, #tpu.memory_space<hbm>> -> memref<512xi32, #tpu.memory_space<hbm>>
    %dma_wait3A_239 = arith.constant 0 : i32
    %dma_wait3A_240 = tpu.memref_slice %arg8[%mul3A_13, %dma_wait3A_239] : memref<64x512xi32, #tpu.memory_space<hbm>> -> memref<1x512xi32, #tpu.memory_space<hbm>>
    %dma_wait3A_241 = tpu.memref_squeeze %dma_wait3A_240 : memref<1x512xi32, #tpu.memory_space<hbm>> -> memref<512xi32, #tpu.memory_space<hbm>>
    tpu.wait_dma2 semaphore(%arg22 : memref<!tpu.dma_semaphore, #tpu.memory_space<semaphore_mem>>) src(%dma_wait3A_241 : memref<512xi32, #tpu.memory_space<hbm>>) dst(%arg15 : memref<512xi32, #tpu.memory_space<vmem>>)
    %dma_wait3A_242 = arith.constant 0 : i32
    %dma_wait3A_243 = arith.constant 0 : i32
    %dma_wait3A_244 = tpu.memref_slice %arg10[%mul3A_13, %dma_wait3A_242, %dma_wait3A_243] : memref<64x2x8192xi32, #tpu.memory_space<hbm>> -> memref<1x1x8192xi32, #tpu.memory_space<hbm>>
    %dma_wait3A_245 = tpu.memref_squeeze %dma_wait3A_244 : memref<1x1x8192xi32, #tpu.memory_space<hbm>> -> memref<8192xi32, #tpu.memory_space<hbm>>
    %dma_wait3A_246 = arith.constant 0 : i32
    %dma_wait3A_247 = tpu.memref_slice %arg10[%mul3A_13, %dma_wait3A_242, %dma_wait3A_246] : memref<64x2x8192xi32, #tpu.memory_space<hbm>> -> memref<1x1x8192xi32, #tpu.memory_space<hbm>>
    %dma_wait3A_248 = tpu.memref_squeeze %dma_wait3A_247 : memref<1x1x8192xi32, #tpu.memory_space<hbm>> -> memref<8192xi32, #tpu.memory_space<hbm>>
    tpu.wait_dma2 semaphore(%arg22 : memref<!tpu.dma_semaphore, #tpu.memory_space<semaphore_mem>>) src(%dma_wait3A_248 : memref<8192xi32, #tpu.memory_space<hbm>>) dst(%arg17 : memref<8192xi32, #tpu.memory_space<vmem>>)
    %dma_wait3A_249 = arith.constant 1 : i32
    %dma_wait3A_250 = arith.constant 0 : i32
    %dma_wait3A_251 = tpu.memref_slice %arg10[%mul3A_13, %dma_wait3A_249, %dma_wait3A_250] : memref<64x2x8192xi32, #tpu.memory_space<hbm>> -> memref<1x1x8192xi32, #tpu.memory_space<hbm>>
    %dma_wait3A_252 = tpu.memref_squeeze %dma_wait3A_251 : memref<1x1x8192xi32, #tpu.memory_space<hbm>> -> memref<8192xi32, #tpu.memory_space<hbm>>
    %dma_wait3A_253 = arith.constant 0 : i32
    %dma_wait3A_254 = tpu.memref_slice %arg10[%mul3A_13, %dma_wait3A_249, %dma_wait3A_253] : memref<64x2x8192xi32, #tpu.memory_space<hbm>> -> memref<1x1x8192xi32, #tpu.memory_space<hbm>>
    %dma_wait3A_255 = tpu.memref_squeeze %dma_wait3A_254 : memref<1x1x8192xi32, #tpu.memory_space<hbm>> -> memref<8192xi32, #tpu.memory_space<hbm>>
    tpu.wait_dma2 semaphore(%arg22 : memref<!tpu.dma_semaphore, #tpu.memory_space<semaphore_mem>>) src(%dma_wait3A_255 : memref<8192xi32, #tpu.memory_space<hbm>>) dst(%arg19 : memref<8192xi32, #tpu.memory_space<vmem>>)
    %broadcast_in_dim3A_256 = arith.constant 0.000000e+00 : f32
    %broadcast_in_dim3A_257 = vector.broadcast %broadcast_in_dim3A_256 : f32 to vector<16xf32>
    %parallel_loop3A = arith.constant 0 : i32
    %parallel_loop3A_258 = arith.constant 512 : i32
    %parallel_loop3A_259 = arith.constant 1 : i32
    %parallel_loop3A_260 = scf.for %parallel_loop3A_349 = %parallel_loop3A to %parallel_loop3A_258 step %parallel_loop3A_259 iter_args(%parallel_loop3A_350 = %broadcast_in_dim3A_257) -> (vector<16xf32>)  : i32 {
      %parallel_loop3A_351 = arith.constant 16 : i32
      %parallel_loop3A_352 = arith.muli %parallel_loop3A_349, %parallel_loop3A_351 : i32
      %parallel_loop3A_353 = arith.index_cast %parallel_loop3A_352 : i32 to index
      %parallel_loop3A_354 = tpu.vector_load %arg17[%parallel_loop3A_353] {strides = array<i32>} : memref<8192xi32, #tpu.memory_space<vmem>>, vector<16xi32>,
      %parallel_loop3A_355 = arith.constant 16 : i32
      %parallel_loop3A_356 = arith.muli %parallel_loop3A_349, %parallel_loop3A_355 : i32
      %parallel_loop3A_357 = arith.index_cast %parallel_loop3A_356 : i32 to index
      %parallel_loop3A_358 = tpu.vector_load %arg19[%parallel_loop3A_357] {strides = array<i32>} : memref<8192xi32, #tpu.memory_space<vmem>>, vector<16xi32>,
      %parallel_loop3A_359 = tpu.vector_load_idx %arg14[%parallel_loop3A_354] : memref<16864xi32, #tpu.memory_space<vmem>>[vector<16xi32>], vector<16xi32>,
      %parallel_loop3A_360 = arith.addi %parallel_loop3A_354, %broadcast_in_dim3A_9 : vector<16xi32>
      %parallel_loop3A_361 = tpu.vector_load_idx %arg14[%parallel_loop3A_360] : memref<16864xi32, #tpu.memory_space<vmem>>[vector<16xi32>], vector<16xi32>,
      %parallel_loop3A_362 = tpu.vector_load_idx %arg15[%parallel_loop3A_358] : memref<512xi32, #tpu.memory_space<vmem>>[vector<16xi32>], vector<16xi32>,
      %parallel_loop3A_363 = arith.addi %parallel_loop3A_358, %broadcast_in_dim3A_11 : vector<16xi32>
      %parallel_loop3A_364 = tpu.vector_load_idx %arg15[%parallel_loop3A_363] : memref<512xi32, #tpu.memory_space<vmem>>[vector<16xi32>], vector<16xi32>,
      %parallel_loop3A_365 = arith.constant 16 : i32
      %parallel_loop3A_366 = vector.broadcast %parallel_loop3A_365 : i32 to vector<16xi32>
      %parallel_loop3A_367 = arith.shli %parallel_loop3A_361, %parallel_loop3A_366 : vector<16xi32>
      %parallel_loop3A_368 = vector.bitcast %parallel_loop3A_367 : vector<16xi32> to vector<16xf32>
      %parallel_loop3A_369 = arith.constant -65536 : i32
      %parallel_loop3A_370 = vector.broadcast %parallel_loop3A_369 : i32 to vector<16xi32>
      %parallel_loop3A_371 = arith.andi %parallel_loop3A_361, %parallel_loop3A_370 : vector<16xi32>
      %parallel_loop3A_372 = vector.bitcast %parallel_loop3A_371 : vector<16xi32> to vector<16xf32>
      %parallel_loop3A_373 = arith.constant 16 : i32
      %parallel_loop3A_374 = vector.broadcast %parallel_loop3A_373 : i32 to vector<16xi32>
      %parallel_loop3A_375 = arith.shli %parallel_loop3A_362, %parallel_loop3A_374 : vector<16xi32>
      %parallel_loop3A_376 = vector.bitcast %parallel_loop3A_375 : vector<16xi32> to vector<16xf32>
      %parallel_loop3A_377 = arith.constant 16 : i32
      %parallel_loop3A_378 = vector.broadcast %parallel_loop3A_377 : i32 to vector<16xi32>
      %parallel_loop3A_379 = arith.shli %parallel_loop3A_359, %parallel_loop3A_378 : vector<16xi32>
      %parallel_loop3A_380 = vector.bitcast %parallel_loop3A_379 : vector<16xi32> to vector<16xf32>
      %parallel_loop3A_381 = arith.subf %parallel_loop3A_376, %parallel_loop3A_380 : vector<16xf32>
      %parallel_loop3A_382 = arith.constant 0.000000e+00 : f32
      %parallel_loop3A_383 = vector.broadcast %parallel_loop3A_382 : f32 to vector<16xf32>
      %parallel_loop3A_384 = arith.subf %parallel_loop3A_383, %parallel_loop3A_372 : vector<16xf32>
      %parallel_loop3A_385 = math.exp %parallel_loop3A_384 : vector<16xf32>
      %parallel_loop3A_386 = arith.mulf %parallel_loop3A_381, %parallel_loop3A_385 : vector<16xf32>
      %parallel_loop3A_387 = arith.constant -65536 : i32
      %parallel_loop3A_388 = vector.broadcast %parallel_loop3A_387 : i32 to vector<16xi32>
      %parallel_loop3A_389 = arith.andi %parallel_loop3A_362, %parallel_loop3A_388 : vector<16xi32>
      %parallel_loop3A_390 = vector.bitcast %parallel_loop3A_389 : vector<16xi32> to vector<16xf32>
      %parallel_loop3A_391 = arith.constant -65536 : i32
      %parallel_loop3A_392 = vector.broadcast %parallel_loop3A_391 : i32 to vector<16xi32>
      %parallel_loop3A_393 = arith.andi %parallel_loop3A_359, %parallel_loop3A_392 : vector<16xi32>
      %parallel_loop3A_394 = vector.bitcast %parallel_loop3A_393 : vector<16xi32> to vector<16xf32>
      %parallel_loop3A_395 = arith.subf %parallel_loop3A_390, %parallel_loop3A_394 : vector<16xf32>
      %parallel_loop3A_396 = arith.constant 0.000000e+00 : f32
      %parallel_loop3A_397 = vector.broadcast %parallel_loop3A_396 : f32 to vector<16xf32>
      %parallel_loop3A_398 = arith.subf %parallel_loop3A_397, %parallel_loop3A_368 : vector<16xf32>
      %parallel_loop3A_399 = math.exp %parallel_loop3A_398 : vector<16xf32>
      %parallel_loop3A_400 = arith.mulf %parallel_loop3A_395, %parallel_loop3A_399 : vector<16xf32>
      %parallel_loop3A_401 = arith.constant 16 : i32
      %parallel_loop3A_402 = vector.broadcast %parallel_loop3A_401 : i32 to vector<16xi32>
      %parallel_loop3A_403 = arith.shli %parallel_loop3A_364, %parallel_loop3A_402 : vector<16xi32>
      %parallel_loop3A_404 = vector.bitcast %parallel_loop3A_403 : vector<16xi32> to vector<16xf32>
      %parallel_loop3A_405 = arith.subf %parallel_loop3A_404, %parallel_loop3A_368 : vector<16xf32>
      %parallel_loop3A_406 = arith.constant -65536 : i32
      %parallel_loop3A_407 = vector.broadcast %parallel_loop3A_406 : i32 to vector<16xi32>
      %parallel_loop3A_408 = arith.andi %parallel_loop3A_364, %parallel_loop3A_407 : vector<16xi32>
      %parallel_loop3A_409 = vector.bitcast %parallel_loop3A_408 : vector<16xi32> to vector<16xf32>
      %parallel_loop3A_410 = arith.subf %parallel_loop3A_409, %parallel_loop3A_372 : vector<16xf32>
      %parallel_loop3A_411 = arith.constant 4 : i32
      %parallel_loop3A_412 = vector.broadcast %parallel_loop3A_411 : i32 to vector<16xi32>
      %parallel_loop3A_413 = arith.muli %parallel_loop3A_354, %parallel_loop3A_412 : vector<16xi32>
      %parallel_loop3A_414 = arith.addi %parallel_loop3A_413, %broadcast_in_dim3A_1 : vector<16xi32>
      %parallel_loop3A_415 = tpu.vector_load_idx %arg12[%parallel_loop3A_414] : memref<33728xf32, #tpu.memory_space<vmem>>[vector<16xi32>], vector<16xf32>,
      %parallel_loop3A_416 = arith.subf %parallel_loop3A_415, %parallel_loop3A_386 : vector<16xf32>
      %parallel_loop3A_417 = math.absf %parallel_loop3A_416 : vector<16xf32>
      %parallel_loop3A_418 = arith.constant 1.000000e+00 : f32
      %parallel_loop3A_419 = vector.broadcast %parallel_loop3A_418 : f32 to vector<16xf32>
      %parallel_loop3A_420 = arith.cmpf olt, %parallel_loop3A_417, %parallel_loop3A_419 : vector<16xf32>
      %parallel_loop3A_421 = arith.constant 5.000000e-01 : f32
      %parallel_loop3A_422 = vector.broadcast %parallel_loop3A_421 : f32 to vector<16xf32>
      %parallel_loop3A_423 = arith.mulf %parallel_loop3A_422, %parallel_loop3A_417 : vector<16xf32>
      %parallel_loop3A_424 = arith.mulf %parallel_loop3A_423, %parallel_loop3A_417 : vector<16xf32>
      %parallel_loop3A_425 = arith.constant 5.000000e-01 : f32
      %parallel_loop3A_426 = vector.broadcast %parallel_loop3A_425 : f32 to vector<16xf32>
      %parallel_loop3A_427 = arith.subf %parallel_loop3A_417, %parallel_loop3A_426 : vector<16xf32>
      %parallel_loop3A_428 = arith.select %parallel_loop3A_420, %parallel_loop3A_424, %parallel_loop3A_427 : vector<16xi1>, vector<16xf32>
      %parallel_loop3A_429 = arith.addf %parallel_loop3A_350, %parallel_loop3A_428 : vector<16xf32>
      %parallel_loop3A_430 = arith.addi %parallel_loop3A_413, %broadcast_in_dim3A_3 : vector<16xi32>
      %parallel_loop3A_431 = tpu.vector_load_idx %arg12[%parallel_loop3A_430] : memref<33728xf32, #tpu.memory_space<vmem>>[vector<16xi32>], vector<16xf32>,
      %parallel_loop3A_432 = arith.subf %parallel_loop3A_431, %parallel_loop3A_400 : vector<16xf32>
      %parallel_loop3A_433 = math.absf %parallel_loop3A_432 : vector<16xf32>
      %parallel_loop3A_434 = arith.constant 1.000000e+00 : f32
      %parallel_loop3A_435 = vector.broadcast %parallel_loop3A_434 : f32 to vector<16xf32>
      %parallel_loop3A_436 = arith.cmpf olt, %parallel_loop3A_433, %parallel_loop3A_435 : vector<16xf32>
      %parallel_loop3A_437 = arith.constant 5.000000e-01 : f32
      %parallel_loop3A_438 = vector.broadcast %parallel_loop3A_437 : f32 to vector<16xf32>
      %parallel_loop3A_439 = arith.mulf %parallel_loop3A_438, %parallel_loop3A_433 : vector<16xf32>
      %parallel_loop3A_440 = arith.mulf %parallel_loop3A_439, %parallel_loop3A_433 : vector<16xf32>
      %parallel_loop3A_441 = arith.constant 5.000000e-01 : f32
      %parallel_loop3A_442 = vector.broadcast %parallel_loop3A_441 : f32 to vector<16xf32>
      %parallel_loop3A_443 = arith.subf %parallel_loop3A_433, %parallel_loop3A_442 : vector<16xf32>
      %parallel_loop3A_444 = arith.select %parallel_loop3A_436, %parallel_loop3A_440, %parallel_loop3A_443 : vector<16xi1>, vector<16xf32>
      %parallel_loop3A_445 = arith.addf %parallel_loop3A_429, %parallel_loop3A_444 : vector<16xf32>
      %parallel_loop3A_446 = arith.addi %parallel_loop3A_413, %broadcast_in_dim3A_5 : vector<16xi32>
      %parallel_loop3A_447 = tpu.vector_load_idx %arg12[%parallel_loop3A_446] : memref<33728xf32, #tpu.memory_space<vmem>>[vector<16xi32>], vector<16xf32>,
      %parallel_loop3A_448 = arith.subf %parallel_loop3A_447, %parallel_loop3A_405 : vector<16xf32>
      %parallel_loop3A_449 = math.absf %parallel_loop3A_448 : vector<16xf32>
      %parallel_loop3A_450 = arith.constant 1.000000e+00 : f32
      %parallel_loop3A_451 = vector.broadcast %parallel_loop3A_450 : f32 to vector<16xf32>
      %parallel_loop3A_452 = arith.cmpf olt, %parallel_loop3A_449, %parallel_loop3A_451 : vector<16xf32>
      %parallel_loop3A_453 = arith.constant 5.000000e-01 : f32
      %parallel_loop3A_454 = vector.broadcast %parallel_loop3A_453 : f32 to vector<16xf32>
      %parallel_loop3A_455 = arith.mulf %parallel_loop3A_454, %parallel_loop3A_449 : vector<16xf32>
      %parallel_loop3A_456 = arith.mulf %parallel_loop3A_455, %parallel_loop3A_449 : vector<16xf32>
      %parallel_loop3A_457 = arith.constant 5.000000e-01 : f32
      %parallel_loop3A_458 = vector.broadcast %parallel_loop3A_457 : f32 to vector<16xf32>
      %parallel_loop3A_459 = arith.subf %parallel_loop3A_449, %parallel_loop3A_458 : vector<16xf32>
      %parallel_loop3A_460 = arith.select %parallel_loop3A_452, %parallel_loop3A_456, %parallel_loop3A_459 : vector<16xi1>, vector<16xf32>
      %parallel_loop3A_461 = arith.addf %parallel_loop3A_445, %parallel_loop3A_460 : vector<16xf32>
      %parallel_loop3A_462 = arith.addi %parallel_loop3A_413, %broadcast_in_dim3A_7 : vector<16xi32>
      %parallel_loop3A_463 = tpu.vector_load_idx %arg12[%parallel_loop3A_462] : memref<33728xf32, #tpu.memory_space<vmem>>[vector<16xi32>], vector<16xf32>,
      %parallel_loop3A_464 = arith.subf %parallel_loop3A_463, %parallel_loop3A_410 : vector<16xf32>
      %parallel_loop3A_465 = math.absf %parallel_loop3A_464 : vector<16xf32>
      %parallel_loop3A_466 = arith.constant 1.000000e+00 : f32
      %parallel_loop3A_467 = vector.broadcast %parallel_loop3A_466 : f32 to vector<16xf32>
      %parallel_loop3A_468 = arith.cmpf olt, %parallel_loop3A_465, %parallel_loop3A_467 : vector<16xf32>
      %parallel_loop3A_469 = arith.constant 5.000000e-01 : f32
      %parallel_loop3A_470 = vector.broadcast %parallel_loop3A_469 : f32 to vector<16xf32>
      %parallel_loop3A_471 = arith.mulf %parallel_loop3A_470, %parallel_loop3A_465 : vector<16xf32>
      %parallel_loop3A_472 = arith.mulf %parallel_loop3A_471, %parallel_loop3A_465 : vector<16xf32>
      %parallel_loop3A_473 = arith.constant 5.000000e-01 : f32
      %parallel_loop3A_474 = vector.broadcast %parallel_loop3A_473 : f32 to vector<16xf32>
      %parallel_loop3A_475 = arith.subf %parallel_loop3A_465, %parallel_loop3A_474 : vector<16xf32>
      %parallel_loop3A_476 = arith.select %parallel_loop3A_468, %parallel_loop3A_472, %parallel_loop3A_475 : vector<16xi1>, vector<16xf32>
      %parallel_loop3A_477 = arith.addf %parallel_loop3A_461, %parallel_loop3A_476 : vector<16xf32>
      scf.yield %parallel_loop3A_477 : vector<16xf32>
    } {sc.loop_unroll_factor = 4 : i64, sc.parallel_access}
    %dma_wait3A_261 = arith.constant 0 : i32
    %dma_wait3A_262 = tpu.memref_slice %arg13[%dma_wait3A_261] : memref<33728xf32, #tpu.memory_space<vmem>> -> memref<21904xf32, #tpu.memory_space<vmem>>
    %dma_wait3A_263 = arith.constant 0 : i32
    %dma_wait3A_264 = tpu.memref_slice %arg2[%add3A_96, %dma_wait3A_263] : memref<64x21904xf32, #tpu.memory_space<hbm>> -> memref<1x21904xf32, #tpu.memory_space<hbm>>
    %dma_wait3A_265 = tpu.memref_squeeze %dma_wait3A_264 : memref<1x21904xf32, #tpu.memory_space<hbm>> -> memref<21904xf32, #tpu.memory_space<hbm>>
    %dma_wait3A_266 = arith.constant 0 : i32
    %dma_wait3A_267 = tpu.memref_slice %arg13[%dma_wait3A_266] : memref<33728xf32, #tpu.memory_space<vmem>> -> memref<21904xf32, #tpu.memory_space<vmem>>
    %dma_wait3A_268 = arith.constant 0 : i32
    %dma_wait3A_269 = tpu.memref_slice %arg2[%add3A_96, %dma_wait3A_268] : memref<64x21904xf32, #tpu.memory_space<hbm>> -> memref<1x21904xf32, #tpu.memory_space<hbm>>
    %dma_wait3A_270 = tpu.memref_squeeze %dma_wait3A_269 : memref<1x21904xf32, #tpu.memory_space<hbm>> -> memref<21904xf32, #tpu.memory_space<hbm>>
    tpu.wait_dma2 semaphore(%arg23 : memref<!tpu.dma_semaphore, #tpu.memory_space<semaphore_mem>>) src(%dma_wait3A_270 : memref<21904xf32, #tpu.memory_space<hbm>>) dst(%dma_wait3A_267 : memref<21904xf32, #tpu.memory_space<vmem>>)
    %dma_wait3A_271 = arith.constant 21904 : i32
    %dma_wait3A_272 = tpu.memref_slice %arg13[%dma_wait3A_271] : memref<33728xf32, #tpu.memory_space<vmem>> -> memref<8664xf32, #tpu.memory_space<vmem>>
    %dma_wait3A_273 = arith.constant 0 : i32
    %dma_wait3A_274 = tpu.memref_slice %arg3[%add3A_96, %dma_wait3A_273] : memref<64x8664xf32, #tpu.memory_space<hbm>> -> memref<1x8664xf32, #tpu.memory_space<hbm>>
    %dma_wait3A_275 = tpu.memref_squeeze %dma_wait3A_274 : memref<1x8664xf32, #tpu.memory_space<hbm>> -> memref<8664xf32, #tpu.memory_space<hbm>>
    %dma_wait3A_276 = arith.constant 21904 : i32
    %dma_wait3A_277 = tpu.memref_slice %arg13[%dma_wait3A_276] : memref<33728xf32, #tpu.memory_space<vmem>> -> memref<8664xf32, #tpu.memory_space<vmem>>
    %dma_wait3A_278 = arith.constant 0 : i32
    %dma_wait3A_279 = tpu.memref_slice %arg3[%add3A_96, %dma_wait3A_278] : memref<64x8664xf32, #tpu.memory_space<hbm>> -> memref<1x8664xf32, #tpu.memory_space<hbm>>
    %dma_wait3A_280 = tpu.memref_squeeze %dma_wait3A_279 : memref<1x8664xf32, #tpu.memory_space<hbm>> -> memref<8664xf32, #tpu.memory_space<hbm>>
    tpu.wait_dma2 semaphore(%arg23 : memref<!tpu.dma_semaphore, #tpu.memory_space<semaphore_mem>>) src(%dma_wait3A_280 : memref<8664xf32, #tpu.memory_space<hbm>>) dst(%dma_wait3A_277 : memref<8664xf32, #tpu.memory_space<vmem>>)
    %dma_wait3A_281 = arith.constant 30568 : i32
    %dma_wait3A_282 = tpu.memref_slice %arg13[%dma_wait3A_281] : memref<33728xf32, #tpu.memory_space<vmem>> -> memref<2400xf32, #tpu.memory_space<vmem>>
    %dma_wait3A_283 = arith.constant 0 : i32
    %dma_wait3A_284 = tpu.memref_slice %arg4[%add3A_96, %dma_wait3A_283] : memref<64x2400xf32, #tpu.memory_space<hbm>> -> memref<1x2400xf32, #tpu.memory_space<hbm>>
    %dma_wait3A_285 = tpu.memref_squeeze %dma_wait3A_284 : memref<1x2400xf32, #tpu.memory_space<hbm>> -> memref<2400xf32, #tpu.memory_space<hbm>>
    %dma_wait3A_286 = arith.constant 30568 : i32
    %dma_wait3A_287 = tpu.memref_slice %arg13[%dma_wait3A_286] : memref<33728xf32, #tpu.memory_space<vmem>> -> memref<2400xf32, #tpu.memory_space<vmem>>
    %dma_wait3A_288 = arith.constant 0 : i32
    %dma_wait3A_289 = tpu.memref_slice %arg4[%add3A_96, %dma_wait3A_288] : memref<64x2400xf32, #tpu.memory_space<hbm>> -> memref<1x2400xf32, #tpu.memory_space<hbm>>
    %dma_wait3A_290 = tpu.memref_squeeze %dma_wait3A_289 : memref<1x2400xf32, #tpu.memory_space<hbm>> -> memref<2400xf32, #tpu.memory_space<hbm>>
    tpu.wait_dma2 semaphore(%arg23 : memref<!tpu.dma_semaphore, #tpu.memory_space<semaphore_mem>>) src(%dma_wait3A_290 : memref<2400xf32, #tpu.memory_space<hbm>>) dst(%dma_wait3A_287 : memref<2400xf32, #tpu.memory_space<vmem>>)
    %dma_wait3A_291 = arith.constant 32968 : i32
    %dma_wait3A_292 = tpu.memref_slice %arg13[%dma_wait3A_291] : memref<33728xf32, #tpu.memory_space<vmem>> -> memref<600xf32, #tpu.memory_space<vmem>>
    %dma_wait3A_293 = arith.constant 0 : i32
    %dma_wait3A_294 = tpu.memref_slice %arg5[%add3A_96, %dma_wait3A_293] : memref<64x600xf32, #tpu.memory_space<hbm>> -> memref<1x600xf32, #tpu.memory_space<hbm>>
    %dma_wait3A_295 = tpu.memref_squeeze %dma_wait3A_294 : memref<1x600xf32, #tpu.memory_space<hbm>> -> memref<600xf32, #tpu.memory_space<hbm>>
    %dma_wait3A_296 = arith.constant 32968 : i32
    %dma_wait3A_297 = tpu.memref_slice %arg13[%dma_wait3A_296] : memref<33728xf32, #tpu.memory_space<vmem>> -> memref<600xf32, #tpu.memory_space<vmem>>
    %dma_wait3A_298 = arith.constant 0 : i32
    %dma_wait3A_299 = tpu.memref_slice %arg5[%add3A_96, %dma_wait3A_298] : memref<64x600xf32, #tpu.memory_space<hbm>> -> memref<1x600xf32, #tpu.memory_space<hbm>>
    %dma_wait3A_300 = tpu.memref_squeeze %dma_wait3A_299 : memref<1x600xf32, #tpu.memory_space<hbm>> -> memref<600xf32, #tpu.memory_space<hbm>>
    tpu.wait_dma2 semaphore(%arg23 : memref<!tpu.dma_semaphore, #tpu.memory_space<semaphore_mem>>) src(%dma_wait3A_300 : memref<600xf32, #tpu.memory_space<hbm>>) dst(%dma_wait3A_297 : memref<600xf32, #tpu.memory_space<vmem>>)
    %dma_wait3A_301 = arith.constant 33568 : i32
    %dma_wait3A_302 = tpu.memref_slice %arg13[%dma_wait3A_301] : memref<33728xf32, #tpu.memory_space<vmem>> -> memref<144xf32, #tpu.memory_space<vmem>>
    %dma_wait3A_303 = arith.constant 0 : i32
    %dma_wait3A_304 = tpu.memref_slice %arg6[%add3A_96, %dma_wait3A_303] : memref<64x144xf32, #tpu.memory_space<hbm>> -> memref<1x144xf32, #tpu.memory_space<hbm>>
    %dma_wait3A_305 = tpu.memref_squeeze %dma_wait3A_304 : memref<1x144xf32, #tpu.memory_space<hbm>> -> memref<144xf32, #tpu.memory_space<hbm>>
    %dma_wait3A_306 = arith.constant 33568 : i32
    %dma_wait3A_307 = tpu.memref_slice %arg13[%dma_wait3A_306] : memref<33728xf32, #tpu.memory_space<vmem>> -> memref<144xf32, #tpu.memory_space<vmem>>
    %dma_wait3A_308 = arith.constant 0 : i32
    %dma_wait3A_309 = tpu.memref_slice %arg6[%add3A_96, %dma_wait3A_308] : memref<64x144xf32, #tpu.memory_space<hbm>> -> memref<1x144xf32, #tpu.memory_space<hbm>>
    %dma_wait3A_310 = tpu.memref_squeeze %dma_wait3A_309 : memref<1x144xf32, #tpu.memory_space<hbm>> -> memref<144xf32, #tpu.memory_space<hbm>>
    tpu.wait_dma2 semaphore(%arg23 : memref<!tpu.dma_semaphore, #tpu.memory_space<semaphore_mem>>) src(%dma_wait3A_310 : memref<144xf32, #tpu.memory_space<hbm>>) dst(%dma_wait3A_307 : memref<144xf32, #tpu.memory_space<vmem>>)
    %dma_wait3A_311 = arith.constant 33712 : i32
    %dma_wait3A_312 = tpu.memref_slice %arg13[%dma_wait3A_311] : memref<33728xf32, #tpu.memory_space<vmem>> -> memref<16xf32, #tpu.memory_space<vmem>>
    %dma_wait3A_313 = arith.constant 0 : i32
    %dma_wait3A_314 = tpu.memref_slice %arg7[%add3A_96, %dma_wait3A_313] : memref<64x16xf32, #tpu.memory_space<hbm>> -> memref<1x16xf32, #tpu.memory_space<hbm>>
    %dma_wait3A_315 = tpu.memref_squeeze %dma_wait3A_314 : memref<1x16xf32, #tpu.memory_space<hbm>> -> memref<16xf32, #tpu.memory_space<hbm>>
    %dma_wait3A_316 = arith.constant 33712 : i32
    %dma_wait3A_317 = tpu.memref_slice %arg13[%dma_wait3A_316] : memref<33728xf32, #tpu.memory_space<vmem>> -> memref<16xf32, #tpu.memory_space<vmem>>
    %dma_wait3A_318 = arith.constant 0 : i32
    %dma_wait3A_319 = tpu.memref_slice %arg7[%add3A_96, %dma_wait3A_318] : memref<64x16xf32, #tpu.memory_space<hbm>> -> memref<1x16xf32, #tpu.memory_space<hbm>>
    %dma_wait3A_320 = tpu.memref_squeeze %dma_wait3A_319 : memref<1x16xf32, #tpu.memory_space<hbm>> -> memref<16xf32, #tpu.memory_space<hbm>>
    tpu.wait_dma2 semaphore(%arg23 : memref<!tpu.dma_semaphore, #tpu.memory_space<semaphore_mem>>) src(%dma_wait3A_320 : memref<16xf32, #tpu.memory_space<hbm>>) dst(%dma_wait3A_317 : memref<16xf32, #tpu.memory_space<vmem>>)
    %dma_wait3A_321 = arith.constant 0 : i32
    %dma_wait3A_322 = tpu.memref_slice %arg8[%add3A_96, %dma_wait3A_321] : memref<64x512xi32, #tpu.memory_space<hbm>> -> memref<1x512xi32, #tpu.memory_space<hbm>>
    %dma_wait3A_323 = tpu.memref_squeeze %dma_wait3A_322 : memref<1x512xi32, #tpu.memory_space<hbm>> -> memref<512xi32, #tpu.memory_space<hbm>>
    %dma_wait3A_324 = arith.constant 0 : i32
    %dma_wait3A_325 = tpu.memref_slice %arg8[%add3A_96, %dma_wait3A_324] : memref<64x512xi32, #tpu.memory_space<hbm>> -> memref<1x512xi32, #tpu.memory_space<hbm>>
    %dma_wait3A_326 = tpu.memref_squeeze %dma_wait3A_325 : memref<1x512xi32, #tpu.memory_space<hbm>> -> memref<512xi32, #tpu.memory_space<hbm>>
    tpu.wait_dma2 semaphore(%arg23 : memref<!tpu.dma_semaphore, #tpu.memory_space<semaphore_mem>>) src(%dma_wait3A_326 : memref<512xi32, #tpu.memory_space<hbm>>) dst(%arg16 : memref<512xi32, #tpu.memory_space<vmem>>)
    %dma_wait3A_327 = arith.constant 0 : i32
    %dma_wait3A_328 = arith.constant 0 : i32
    %dma_wait3A_329 = tpu.memref_slice %arg10[%add3A_96, %dma_wait3A_327, %dma_wait3A_328] : memref<64x2x8192xi32, #tpu.memory_space<hbm>> -> memref<1x1x8192xi32, #tpu.memory_space<hbm>>
    %dma_wait3A_330 = tpu.memref_squeeze %dma_wait3A_329 : memref<1x1x8192xi32, #tpu.memory_space<hbm>> -> memref<8192xi32, #tpu.memory_space<hbm>>
    %dma_wait3A_331 = arith.constant 0 : i32
    %dma_wait3A_332 = tpu.memref_slice %arg10[%add3A_96, %dma_wait3A_327, %dma_wait3A_331] : memref<64x2x8192xi32, #tpu.memory_space<hbm>> -> memref<1x1x8192xi32, #tpu.memory_space<hbm>>
    %dma_wait3A_333 = tpu.memref_squeeze %dma_wait3A_332 : memref<1x1x8192xi32, #tpu.memory_space<hbm>> -> memref<8192xi32, #tpu.memory_space<hbm>>
    tpu.wait_dma2 semaphore(%arg23 : memref<!tpu.dma_semaphore, #tpu.memory_space<semaphore_mem>>) src(%dma_wait3A_333 : memref<8192xi32, #tpu.memory_space<hbm>>) dst(%arg18 : memref<8192xi32, #tpu.memory_space<vmem>>)
    %dma_wait3A_334 = arith.constant 1 : i32
    %dma_wait3A_335 = arith.constant 0 : i32
    %dma_wait3A_336 = tpu.memref_slice %arg10[%add3A_96, %dma_wait3A_334, %dma_wait3A_335] : memref<64x2x8192xi32, #tpu.memory_space<hbm>> -> memref<1x1x8192xi32, #tpu.memory_space<hbm>>
    %dma_wait3A_337 = tpu.memref_squeeze %dma_wait3A_336 : memref<1x1x8192xi32, #tpu.memory_space<hbm>> -> memref<8192xi32, #tpu.memory_space<hbm>>
    %dma_wait3A_338 = arith.constant 0 : i32
    %dma_wait3A_339 = tpu.memref_slice %arg10[%add3A_96, %dma_wait3A_334, %dma_wait3A_338] : memref<64x2x8192xi32, #tpu.memory_space<hbm>> -> memref<1x1x8192xi32, #tpu.memory_space<hbm>>
    %dma_wait3A_340 = tpu.memref_squeeze %dma_wait3A_339 : memref<1x1x8192xi32, #tpu.memory_space<hbm>> -> memref<8192xi32, #tpu.memory_space<hbm>>
    tpu.wait_dma2 semaphore(%arg23 : memref<!tpu.dma_semaphore, #tpu.memory_space<semaphore_mem>>) src(%dma_wait3A_340 : memref<8192xi32, #tpu.memory_space<hbm>>) dst(%arg20 : memref<8192xi32, #tpu.memory_space<vmem>>)
    %broadcast_in_dim3A_341 = arith.constant 0.000000e+00 : f32
    %broadcast_in_dim3A_342 = vector.broadcast %broadcast_in_dim3A_341 : f32 to vector<16xf32>
    %parallel_loop3A_343 = arith.constant 0 : i32
    %parallel_loop3A_344 = arith.constant 512 : i32
    %parallel_loop3A_345 = arith.constant 1 : i32
    %parallel_loop3A_346 = scf.for %parallel_loop3A_349 = %parallel_loop3A_343 to %parallel_loop3A_344 step %parallel_loop3A_345 iter_args(%parallel_loop3A_350 = %broadcast_in_dim3A_342) -> (vector<16xf32>)  : i32 {
      %parallel_loop3A_351 = arith.constant 16 : i32
      %parallel_loop3A_352 = arith.muli %parallel_loop3A_349, %parallel_loop3A_351 : i32
      %parallel_loop3A_353 = arith.index_cast %parallel_loop3A_352 : i32 to index
      %parallel_loop3A_354 = tpu.vector_load %arg18[%parallel_loop3A_353] {strides = array<i32>} : memref<8192xi32, #tpu.memory_space<vmem>>, vector<16xi32>,
      %parallel_loop3A_355 = arith.constant 16 : i32
      %parallel_loop3A_356 = arith.muli %parallel_loop3A_349, %parallel_loop3A_355 : i32
      %parallel_loop3A_357 = arith.index_cast %parallel_loop3A_356 : i32 to index
      %parallel_loop3A_358 = tpu.vector_load %arg20[%parallel_loop3A_357] {strides = array<i32>} : memref<8192xi32, #tpu.memory_space<vmem>>, vector<16xi32>,
      %parallel_loop3A_359 = tpu.vector_load_idx %arg14[%parallel_loop3A_354] : memref<16864xi32, #tpu.memory_space<vmem>>[vector<16xi32>], vector<16xi32>,
      %parallel_loop3A_360 = arith.addi %parallel_loop3A_354, %broadcast_in_dim3A_9 : vector<16xi32>
      %parallel_loop3A_361 = tpu.vector_load_idx %arg14[%parallel_loop3A_360] : memref<16864xi32, #tpu.memory_space<vmem>>[vector<16xi32>], vector<16xi32>,
      %parallel_loop3A_362 = tpu.vector_load_idx %arg16[%parallel_loop3A_358] : memref<512xi32, #tpu.memory_space<vmem>>[vector<16xi32>], vector<16xi32>,
      %parallel_loop3A_363 = arith.addi %parallel_loop3A_358, %broadcast_in_dim3A_11 : vector<16xi32>
      %parallel_loop3A_364 = tpu.vector_load_idx %arg16[%parallel_loop3A_363] : memref<512xi32, #tpu.memory_space<vmem>>[vector<16xi32>], vector<16xi32>,
      %parallel_loop3A_365 = arith.constant 16 : i32
      %parallel_loop3A_366 = vector.broadcast %parallel_loop3A_365 : i32 to vector<16xi32>
      %parallel_loop3A_367 = arith.shli %parallel_loop3A_361, %parallel_loop3A_366 : vector<16xi32>
      %parallel_loop3A_368 = vector.bitcast %parallel_loop3A_367 : vector<16xi32> to vector<16xf32>
      %parallel_loop3A_369 = arith.constant -65536 : i32
      %parallel_loop3A_370 = vector.broadcast %parallel_loop3A_369 : i32 to vector<16xi32>
      %parallel_loop3A_371 = arith.andi %parallel_loop3A_361, %parallel_loop3A_370 : vector<16xi32>
      %parallel_loop3A_372 = vector.bitcast %parallel_loop3A_371 : vector<16xi32> to vector<16xf32>
      %parallel_loop3A_373 = arith.constant 16 : i32
      %parallel_loop3A_374 = vector.broadcast %parallel_loop3A_373 : i32 to vector<16xi32>
      %parallel_loop3A_375 = arith.shli %parallel_loop3A_362, %parallel_loop3A_374 : vector<16xi32>
      %parallel_loop3A_376 = vector.bitcast %parallel_loop3A_375 : vector<16xi32> to vector<16xf32>
      %parallel_loop3A_377 = arith.constant 16 : i32
      %parallel_loop3A_378 = vector.broadcast %parallel_loop3A_377 : i32 to vector<16xi32>
      %parallel_loop3A_379 = arith.shli %parallel_loop3A_359, %parallel_loop3A_378 : vector<16xi32>
      %parallel_loop3A_380 = vector.bitcast %parallel_loop3A_379 : vector<16xi32> to vector<16xf32>
      %parallel_loop3A_381 = arith.subf %parallel_loop3A_376, %parallel_loop3A_380 : vector<16xf32>
      %parallel_loop3A_382 = arith.constant 0.000000e+00 : f32
      %parallel_loop3A_383 = vector.broadcast %parallel_loop3A_382 : f32 to vector<16xf32>
      %parallel_loop3A_384 = arith.subf %parallel_loop3A_383, %parallel_loop3A_372 : vector<16xf32>
      %parallel_loop3A_385 = math.exp %parallel_loop3A_384 : vector<16xf32>
      %parallel_loop3A_386 = arith.mulf %parallel_loop3A_381, %parallel_loop3A_385 : vector<16xf32>
      %parallel_loop3A_387 = arith.constant -65536 : i32
      %parallel_loop3A_388 = vector.broadcast %parallel_loop3A_387 : i32 to vector<16xi32>
      %parallel_loop3A_389 = arith.andi %parallel_loop3A_362, %parallel_loop3A_388 : vector<16xi32>
      %parallel_loop3A_390 = vector.bitcast %parallel_loop3A_389 : vector<16xi32> to vector<16xf32>
      %parallel_loop3A_391 = arith.constant -65536 : i32
      %parallel_loop3A_392 = vector.broadcast %parallel_loop3A_391 : i32 to vector<16xi32>
      %parallel_loop3A_393 = arith.andi %parallel_loop3A_359, %parallel_loop3A_392 : vector<16xi32>
      %parallel_loop3A_394 = vector.bitcast %parallel_loop3A_393 : vector<16xi32> to vector<16xf32>
      %parallel_loop3A_395 = arith.subf %parallel_loop3A_390, %parallel_loop3A_394 : vector<16xf32>
      %parallel_loop3A_396 = arith.constant 0.000000e+00 : f32
      %parallel_loop3A_397 = vector.broadcast %parallel_loop3A_396 : f32 to vector<16xf32>
      %parallel_loop3A_398 = arith.subf %parallel_loop3A_397, %parallel_loop3A_368 : vector<16xf32>
      %parallel_loop3A_399 = math.exp %parallel_loop3A_398 : vector<16xf32>
      %parallel_loop3A_400 = arith.mulf %parallel_loop3A_395, %parallel_loop3A_399 : vector<16xf32>
      %parallel_loop3A_401 = arith.constant 16 : i32
      %parallel_loop3A_402 = vector.broadcast %parallel_loop3A_401 : i32 to vector<16xi32>
      %parallel_loop3A_403 = arith.shli %parallel_loop3A_364, %parallel_loop3A_402 : vector<16xi32>
      %parallel_loop3A_404 = vector.bitcast %parallel_loop3A_403 : vector<16xi32> to vector<16xf32>
      %parallel_loop3A_405 = arith.subf %parallel_loop3A_404, %parallel_loop3A_368 : vector<16xf32>
      %parallel_loop3A_406 = arith.constant -65536 : i32
      %parallel_loop3A_407 = vector.broadcast %parallel_loop3A_406 : i32 to vector<16xi32>
      %parallel_loop3A_408 = arith.andi %parallel_loop3A_364, %parallel_loop3A_407 : vector<16xi32>
      %parallel_loop3A_409 = vector.bitcast %parallel_loop3A_408 : vector<16xi32> to vector<16xf32>
      %parallel_loop3A_410 = arith.subf %parallel_loop3A_409, %parallel_loop3A_372 : vector<16xf32>
      %parallel_loop3A_411 = arith.constant 4 : i32
      %parallel_loop3A_412 = vector.broadcast %parallel_loop3A_411 : i32 to vector<16xi32>
      %parallel_loop3A_413 = arith.muli %parallel_loop3A_354, %parallel_loop3A_412 : vector<16xi32>
      %parallel_loop3A_414 = arith.addi %parallel_loop3A_413, %broadcast_in_dim3A_1 : vector<16xi32>
      %parallel_loop3A_415 = tpu.vector_load_idx %arg13[%parallel_loop3A_414] : memref<33728xf32, #tpu.memory_space<vmem>>[vector<16xi32>], vector<16xf32>,
      %parallel_loop3A_416 = arith.subf %parallel_loop3A_415, %parallel_loop3A_386 : vector<16xf32>
      %parallel_loop3A_417 = math.absf %parallel_loop3A_416 : vector<16xf32>
      %parallel_loop3A_418 = arith.constant 1.000000e+00 : f32
      %parallel_loop3A_419 = vector.broadcast %parallel_loop3A_418 : f32 to vector<16xf32>
      %parallel_loop3A_420 = arith.cmpf olt, %parallel_loop3A_417, %parallel_loop3A_419 : vector<16xf32>
      %parallel_loop3A_421 = arith.constant 5.000000e-01 : f32
      %parallel_loop3A_422 = vector.broadcast %parallel_loop3A_421 : f32 to vector<16xf32>
      %parallel_loop3A_423 = arith.mulf %parallel_loop3A_422, %parallel_loop3A_417 : vector<16xf32>
      %parallel_loop3A_424 = arith.mulf %parallel_loop3A_423, %parallel_loop3A_417 : vector<16xf32>
      %parallel_loop3A_425 = arith.constant 5.000000e-01 : f32
      %parallel_loop3A_426 = vector.broadcast %parallel_loop3A_425 : f32 to vector<16xf32>
      %parallel_loop3A_427 = arith.subf %parallel_loop3A_417, %parallel_loop3A_426 : vector<16xf32>
      %parallel_loop3A_428 = arith.select %parallel_loop3A_420, %parallel_loop3A_424, %parallel_loop3A_427 : vector<16xi1>, vector<16xf32>
      %parallel_loop3A_429 = arith.addf %parallel_loop3A_350, %parallel_loop3A_428 : vector<16xf32>
      %parallel_loop3A_430 = arith.addi %parallel_loop3A_413, %broadcast_in_dim3A_3 : vector<16xi32>
      %parallel_loop3A_431 = tpu.vector_load_idx %arg13[%parallel_loop3A_430] : memref<33728xf32, #tpu.memory_space<vmem>>[vector<16xi32>], vector<16xf32>,
      %parallel_loop3A_432 = arith.subf %parallel_loop3A_431, %parallel_loop3A_400 : vector<16xf32>
      %parallel_loop3A_433 = math.absf %parallel_loop3A_432 : vector<16xf32>
      %parallel_loop3A_434 = arith.constant 1.000000e+00 : f32
      %parallel_loop3A_435 = vector.broadcast %parallel_loop3A_434 : f32 to vector<16xf32>
      %parallel_loop3A_436 = arith.cmpf olt, %parallel_loop3A_433, %parallel_loop3A_435 : vector<16xf32>
      %parallel_loop3A_437 = arith.constant 5.000000e-01 : f32
      %parallel_loop3A_438 = vector.broadcast %parallel_loop3A_437 : f32 to vector<16xf32>
      %parallel_loop3A_439 = arith.mulf %parallel_loop3A_438, %parallel_loop3A_433 : vector<16xf32>
      %parallel_loop3A_440 = arith.mulf %parallel_loop3A_439, %parallel_loop3A_433 : vector<16xf32>
      %parallel_loop3A_441 = arith.constant 5.000000e-01 : f32
      %parallel_loop3A_442 = vector.broadcast %parallel_loop3A_441 : f32 to vector<16xf32>
      %parallel_loop3A_443 = arith.subf %parallel_loop3A_433, %parallel_loop3A_442 : vector<16xf32>
      %parallel_loop3A_444 = arith.select %parallel_loop3A_436, %parallel_loop3A_440, %parallel_loop3A_443 : vector<16xi1>, vector<16xf32>
      %parallel_loop3A_445 = arith.addf %parallel_loop3A_429, %parallel_loop3A_444 : vector<16xf32>
      %parallel_loop3A_446 = arith.addi %parallel_loop3A_413, %broadcast_in_dim3A_5 : vector<16xi32>
      %parallel_loop3A_447 = tpu.vector_load_idx %arg13[%parallel_loop3A_446] : memref<33728xf32, #tpu.memory_space<vmem>>[vector<16xi32>], vector<16xf32>,
      %parallel_loop3A_448 = arith.subf %parallel_loop3A_447, %parallel_loop3A_405 : vector<16xf32>
      %parallel_loop3A_449 = math.absf %parallel_loop3A_448 : vector<16xf32>
      %parallel_loop3A_450 = arith.constant 1.000000e+00 : f32
      %parallel_loop3A_451 = vector.broadcast %parallel_loop3A_450 : f32 to vector<16xf32>
      %parallel_loop3A_452 = arith.cmpf olt, %parallel_loop3A_449, %parallel_loop3A_451 : vector<16xf32>
      %parallel_loop3A_453 = arith.constant 5.000000e-01 : f32
      %parallel_loop3A_454 = vector.broadcast %parallel_loop3A_453 : f32 to vector<16xf32>
      %parallel_loop3A_455 = arith.mulf %parallel_loop3A_454, %parallel_loop3A_449 : vector<16xf32>
      %parallel_loop3A_456 = arith.mulf %parallel_loop3A_455, %parallel_loop3A_449 : vector<16xf32>
      %parallel_loop3A_457 = arith.constant 5.000000e-01 : f32
      %parallel_loop3A_458 = vector.broadcast %parallel_loop3A_457 : f32 to vector<16xf32>
      %parallel_loop3A_459 = arith.subf %parallel_loop3A_449, %parallel_loop3A_458 : vector<16xf32>
      %parallel_loop3A_460 = arith.select %parallel_loop3A_452, %parallel_loop3A_456, %parallel_loop3A_459 : vector<16xi1>, vector<16xf32>
      %parallel_loop3A_461 = arith.addf %parallel_loop3A_445, %parallel_loop3A_460 : vector<16xf32>
      %parallel_loop3A_462 = arith.addi %parallel_loop3A_413, %broadcast_in_dim3A_7 : vector<16xi32>
      %parallel_loop3A_463 = tpu.vector_load_idx %arg13[%parallel_loop3A_462] : memref<33728xf32, #tpu.memory_space<vmem>>[vector<16xi32>], vector<16xf32>,
      %parallel_loop3A_464 = arith.subf %parallel_loop3A_463, %parallel_loop3A_410 : vector<16xf32>
      %parallel_loop3A_465 = math.absf %parallel_loop3A_464 : vector<16xf32>
      %parallel_loop3A_466 = arith.constant 1.000000e+00 : f32
      %parallel_loop3A_467 = vector.broadcast %parallel_loop3A_466 : f32 to vector<16xf32>
      %parallel_loop3A_468 = arith.cmpf olt, %parallel_loop3A_465, %parallel_loop3A_467 : vector<16xf32>
      %parallel_loop3A_469 = arith.constant 5.000000e-01 : f32
      %parallel_loop3A_470 = vector.broadcast %parallel_loop3A_469 : f32 to vector<16xf32>
      %parallel_loop3A_471 = arith.mulf %parallel_loop3A_470, %parallel_loop3A_465 : vector<16xf32>
      %parallel_loop3A_472 = arith.mulf %parallel_loop3A_471, %parallel_loop3A_465 : vector<16xf32>
      %parallel_loop3A_473 = arith.constant 5.000000e-01 : f32
      %parallel_loop3A_474 = vector.broadcast %parallel_loop3A_473 : f32 to vector<16xf32>
      %parallel_loop3A_475 = arith.subf %parallel_loop3A_465, %parallel_loop3A_474 : vector<16xf32>
      %parallel_loop3A_476 = arith.select %parallel_loop3A_468, %parallel_loop3A_472, %parallel_loop3A_475 : vector<16xi1>, vector<16xf32>
      %parallel_loop3A_477 = arith.addf %parallel_loop3A_461, %parallel_loop3A_476 : vector<16xf32>
      scf.yield %parallel_loop3A_477 : vector<16xf32>
    } {sc.loop_unroll_factor = 4 : i64, sc.parallel_access}
    %add3A_347 = arith.addf %parallel_loop3A_260, %parallel_loop3A_346 : vector<16xf32>
    %swap3A = arith.constant 0 : index
    %swap3A_348 = tpu.vector_load %arg21[%swap3A] {strides = array<i32>} : memref<16xf32, #tpu.memory_space<vmem>>, vector<16xf32>,
    tpu.vector_store %arg21[%swap3A], %add3A_347 {strides = array<i32>} : memref<16xf32, #tpu.memory_space<vmem>>, vector<16xf32>,
    "tpu.region"() ({
      %run_scoped3A = tpu.sem_alloc : memref<!tpu.dma_semaphore, #tpu.memory_space<semaphore_mem>>
      %dma_start3A_349 = arith.constant 0 : i32
      %dma_start3A_350 = tpu.memref_slice %arg11[%add3A, %dma_start3A_349] : memref<32x16xf32, #tpu.memory_space<hbm>> -> memref<1x16xf32, #tpu.memory_space<hbm>>
      %dma_start3A_351 = tpu.memref_squeeze %dma_start3A_350 : memref<1x16xf32, #tpu.memory_space<hbm>> -> memref<16xf32, #tpu.memory_space<hbm>>
      %dma_start3A_352 = arith.constant 0 : i32
      %dma_start3A_353 = tpu.memref_slice %arg11[%add3A, %dma_start3A_352] : memref<32x16xf32, #tpu.memory_space<hbm>> -> memref<1x16xf32, #tpu.memory_space<hbm>>
      %dma_start3A_354 = tpu.memref_squeeze %dma_start3A_353 : memref<1x16xf32, #tpu.memory_space<hbm>> -> memref<16xf32, #tpu.memory_space<hbm>>
      tpu.enqueue_dma source(%arg21 : memref<16xf32, #tpu.memory_space<vmem>>) target(%dma_start3A_354 : memref<16xf32, #tpu.memory_space<hbm>>) target_semaphore(%run_scoped3A : memref<!tpu.dma_semaphore, #tpu.memory_space<semaphore_mem>>)
      %dma_wait3A_355 = arith.constant 0 : i32
      %dma_wait3A_356 = tpu.memref_slice %arg11[%add3A, %dma_wait3A_355] : memref<32x16xf32, #tpu.memory_space<hbm>> -> memref<1x16xf32, #tpu.memory_space<hbm>>
      %dma_wait3A_357 = tpu.memref_squeeze %dma_wait3A_356 : memref<1x16xf32, #tpu.memory_space<hbm>> -> memref<16xf32, #tpu.memory_space<hbm>>
      %dma_wait3A_358 = arith.constant 0 : i32
      %dma_wait3A_359 = tpu.memref_slice %arg11[%add3A, %dma_wait3A_358] : memref<32x16xf32, #tpu.memory_space<hbm>> -> memref<1x16xf32, #tpu.memory_space<hbm>>
      %dma_wait3A_360 = tpu.memref_squeeze %dma_wait3A_359 : memref<1x16xf32, #tpu.memory_space<hbm>> -> memref<16xf32, #tpu.memory_space<hbm>>
      tpu.wait_dma2 semaphore(%run_scoped3A : memref<!tpu.dma_semaphore, #tpu.memory_space<semaphore_mem>>) src(%arg21 : memref<16xf32, #tpu.memory_space<vmem>>) dst(%dma_wait3A_360 : memref<16xf32, #tpu.memory_space<hbm>>)
      tpu.yield
    }) : () -> ()
    return
  }
}

module attributes {stable_mosaic.version = 14 : i64} {
  func.func @_prep_body(%arg0: memref<4x8432xf32, #tpu.memory_space<vmem>>, %arg1: memref<64x4x256xf32, #tpu.memory_space<vmem>>, %arg2: memref<16864xi32, #tpu.memory_space<vmem>>, %arg3: memref<64x512xi32, #tpu.memory_space<vmem>>) attributes {dimension_semantics = [], scalar_prefetch = 0 : i64, scratch_operands = 0 : i64, tpu.core_type = #tpu.core_type<tc>} {
    %get3A = arith.constant 0 : index
    %get3A_0 = arith.constant 0 : index
    %get3A_1 = vector.load %arg0[%get3A, %get3A_0] : memref<4x8432xf32, #tpu.memory_space<vmem>>, vector<4x8432xf32>
    %slice3A = vector.extract_strided_slice %get3A_1 {offsets = [0, 0], sizes = [1, 8432], strides = [1, 1]} : vector<4x8432xf32> to vector<1x8432xf32>
    %squeeze3A = vector.shape_cast %slice3A : vector<1x8432xf32> to vector<8432xf32>
    %slice3A_2 = vector.extract_strided_slice %get3A_1 {offsets = [1, 0], sizes = [1, 8432], strides = [1, 1]} : vector<4x8432xf32> to vector<1x8432xf32>
    %squeeze3A_3 = vector.shape_cast %slice3A_2 : vector<1x8432xf32> to vector<8432xf32>
    %convert_element_type3A = arith.truncf %squeeze3A : vector<8432xf32> to vector<8432xbf16>
    %bitcast_convert_type3A = tpu.bitcast %convert_element_type3A : vector<8432xbf16> -> vector<8432xi16>
    %convert_element_type3A_4 = arith.extui %bitcast_convert_type3A : vector<8432xi16> to vector<8432xi32>
    %convert_element_type3A_5 = arith.truncf %squeeze3A_3 : vector<8432xf32> to vector<8432xbf16>
    %bitcast_convert_type3A_6 = tpu.bitcast %convert_element_type3A_5 : vector<8432xbf16> -> vector<8432xi16>
    %convert_element_type3A_7 = arith.extui %bitcast_convert_type3A_6 : vector<8432xi16> to vector<8432xi32>
    %shift_left3A = arith.constant 16 : i32
    %shift_left3A_8 = vector.broadcast %shift_left3A : i32 to vector<8432xi32>
    %shift_left3A_9 = arith.shli %convert_element_type3A_7, %shift_left3A_8 : vector<8432xi32>
    %or3A = arith.ori %convert_element_type3A_4, %shift_left3A_9 : vector<8432xi32>
    %bitcast_convert_type3A_10 = tpu.bitcast %or3A : vector<8432xi32> -> vector<8432xi32>
    %swap3A = arith.constant 0 : index
    %swap3A_11 = vector.load %arg2[%swap3A] : memref<16864xi32, #tpu.memory_space<vmem>>, vector<8432xi32>
    tpu.vector_store %arg2[%swap3A], %bitcast_convert_type3A_10 {strides = array<i32>} : memref<16864xi32, #tpu.memory_space<vmem>>, vector<8432xi32>,
    %slice3A_12 = vector.extract_strided_slice %get3A_1 {offsets = [2, 0], sizes = [1, 8432], strides = [1, 1]} : vector<4x8432xf32> to vector<1x8432xf32>
    %squeeze3A_13 = vector.shape_cast %slice3A_12 : vector<1x8432xf32> to vector<8432xf32>
    %log3A = math.log %squeeze3A_13 : vector<8432xf32>
    %slice3A_14 = vector.extract_strided_slice %get3A_1 {offsets = [3, 0], sizes = [1, 8432], strides = [1, 1]} : vector<4x8432xf32> to vector<1x8432xf32>
    %squeeze3A_15 = vector.shape_cast %slice3A_14 : vector<1x8432xf32> to vector<8432xf32>
    %log3A_16 = math.log %squeeze3A_15 : vector<8432xf32>
    %convert_element_type3A_17 = arith.truncf %log3A : vector<8432xf32> to vector<8432xbf16>
    %bitcast_convert_type3A_18 = tpu.bitcast %convert_element_type3A_17 : vector<8432xbf16> -> vector<8432xi16>
    %convert_element_type3A_19 = arith.extui %bitcast_convert_type3A_18 : vector<8432xi16> to vector<8432xi32>
    %convert_element_type3A_20 = arith.truncf %log3A_16 : vector<8432xf32> to vector<8432xbf16>
    %bitcast_convert_type3A_21 = tpu.bitcast %convert_element_type3A_20 : vector<8432xbf16> -> vector<8432xi16>
    %convert_element_type3A_22 = arith.extui %bitcast_convert_type3A_21 : vector<8432xi16> to vector<8432xi32>
    %shift_left3A_23 = arith.constant 16 : i32
    %shift_left3A_24 = vector.broadcast %shift_left3A_23 : i32 to vector<8432xi32>
    %shift_left3A_25 = arith.shli %convert_element_type3A_22, %shift_left3A_24 : vector<8432xi32>
    %or3A_26 = arith.ori %convert_element_type3A_19, %shift_left3A_25 : vector<8432xi32>
    %bitcast_convert_type3A_27 = tpu.bitcast %or3A_26 : vector<8432xi32> -> vector<8432xi32>
    %swap3A_28 = arith.constant 8432 : index
    %swap3A_29 = vector.load %arg2[%swap3A_28] : memref<16864xi32, #tpu.memory_space<vmem>>, vector<8432xi32>
    tpu.vector_store %arg2[%swap3A_28], %bitcast_convert_type3A_27 {strides = array<i32>} : memref<16864xi32, #tpu.memory_space<vmem>>, vector<8432xi32>,
    %get3A_30 = arith.constant 0 : index
    %get3A_31 = arith.constant 0 : index
    %get3A_32 = arith.constant 0 : index
    %get3A_33 = vector.load %arg1[%get3A_30, %get3A_31, %get3A_32] : memref<64x4x256xf32, #tpu.memory_space<vmem>>, vector<64x4x256xf32>
    %slice3A_34 = vector.extract_strided_slice %get3A_33 {offsets = [0, 0, 0], sizes = [64, 1, 256], strides = [1, 1, 1]} : vector<64x4x256xf32> to vector<64x1x256xf32>
    %squeeze3A_35 = vector.shape_cast %slice3A_34 : vector<64x1x256xf32> to vector<64x256xf32>
    %slice3A_36 = vector.extract_strided_slice %get3A_33 {offsets = [0, 1, 0], sizes = [64, 1, 256], strides = [1, 1, 1]} : vector<64x4x256xf32> to vector<64x1x256xf32>
    %squeeze3A_37 = vector.shape_cast %slice3A_36 : vector<64x1x256xf32> to vector<64x256xf32>
    %convert_element_type3A_38 = arith.truncf %squeeze3A_35 : vector<64x256xf32> to vector<64x256xbf16>
    %bitcast_convert_type3A_39 = tpu.bitcast %convert_element_type3A_38 : vector<64x256xbf16> -> vector<64x256xi16>
    %convert_element_type3A_40 = arith.extui %bitcast_convert_type3A_39 : vector<64x256xi16> to vector<64x256xi32>
    %convert_element_type3A_41 = arith.truncf %squeeze3A_37 : vector<64x256xf32> to vector<64x256xbf16>
    %bitcast_convert_type3A_42 = tpu.bitcast %convert_element_type3A_41 : vector<64x256xbf16> -> vector<64x256xi16>
    %convert_element_type3A_43 = arith.extui %bitcast_convert_type3A_42 : vector<64x256xi16> to vector<64x256xi32>
    %shift_left3A_44 = arith.constant 16 : i32
    %shift_left3A_45 = vector.broadcast %shift_left3A_44 : i32 to vector<64x256xi32>
    %shift_left3A_46 = arith.shli %convert_element_type3A_43, %shift_left3A_45 : vector<64x256xi32>
    %or3A_47 = arith.ori %convert_element_type3A_40, %shift_left3A_46 : vector<64x256xi32>
    %bitcast_convert_type3A_48 = tpu.bitcast %or3A_47 : vector<64x256xi32> -> vector<64x256xi32>
    %swap3A_49 = arith.constant 0 : index
    %swap3A_50 = arith.constant 0 : index
    %swap3A_51 = vector.load %arg3[%swap3A_49, %swap3A_50] : memref<64x512xi32, #tpu.memory_space<vmem>>, vector<64x256xi32>
    tpu.vector_store %arg3[%swap3A_49, %swap3A_50], %bitcast_convert_type3A_48 {strides = array<i32>} : memref<64x512xi32, #tpu.memory_space<vmem>>, vector<64x256xi32>,
    %slice3A_52 = vector.extract_strided_slice %get3A_33 {offsets = [0, 2, 0], sizes = [64, 1, 256], strides = [1, 1, 1]} : vector<64x4x256xf32> to vector<64x1x256xf32>
    %squeeze3A_53 = vector.shape_cast %slice3A_52 : vector<64x1x256xf32> to vector<64x256xf32>
    %log3A_54 = math.log %squeeze3A_53 : vector<64x256xf32>
    %slice3A_55 = vector.extract_strided_slice %get3A_33 {offsets = [0, 3, 0], sizes = [64, 1, 256], strides = [1, 1, 1]} : vector<64x4x256xf32> to vector<64x1x256xf32>
    %squeeze3A_56 = vector.shape_cast %slice3A_55 : vector<64x1x256xf32> to vector<64x256xf32>
    %log3A_57 = math.log %squeeze3A_56 : vector<64x256xf32>
    %convert_element_type3A_58 = arith.truncf %log3A_54 : vector<64x256xf32> to vector<64x256xbf16>
    %bitcast_convert_type3A_59 = tpu.bitcast %convert_element_type3A_58 : vector<64x256xbf16> -> vector<64x256xi16>
    %convert_element_type3A_60 = arith.extui %bitcast_convert_type3A_59 : vector<64x256xi16> to vector<64x256xi32>
    %convert_element_type3A_61 = arith.truncf %log3A_57 : vector<64x256xf32> to vector<64x256xbf16>
    %bitcast_convert_type3A_62 = tpu.bitcast %convert_element_type3A_61 : vector<64x256xbf16> -> vector<64x256xi16>
    %convert_element_type3A_63 = arith.extui %bitcast_convert_type3A_62 : vector<64x256xi16> to vector<64x256xi32>
    %shift_left3A_64 = arith.constant 16 : i32
    %shift_left3A_65 = vector.broadcast %shift_left3A_64 : i32 to vector<64x256xi32>
    %shift_left3A_66 = arith.shli %convert_element_type3A_63, %shift_left3A_65 : vector<64x256xi32>
    %or3A_67 = arith.ori %convert_element_type3A_60, %shift_left3A_66 : vector<64x256xi32>
    %bitcast_convert_type3A_68 = tpu.bitcast %or3A_67 : vector<64x256xi32> -> vector<64x256xi32>
    %swap3A_69 = arith.constant 0 : index
    %swap3A_70 = arith.constant 256 : index
    %swap3A_71 = vector.load %arg3[%swap3A_69, %swap3A_70] : memref<64x512xi32, #tpu.memory_space<vmem>>, vector<64x256xi32>
    tpu.vector_store %arg3[%swap3A_69, %swap3A_70], %bitcast_convert_type3A_68 {strides = array<i32>} : memref<64x512xi32, #tpu.memory_space<vmem>>, vector<64x256xi32>,
    return
  }
}

</mosaic_0001>

<sc_bundles>
// kernel: kernel.4.cloned.1.call-start
scs
__scs_entry_jumppad:
0x0: {  	(pc) =	sbr.rel $0x88, $3  }
0x1: {  	(tag) =	ssettag $0x0;
	lr =	simm.s32 $0x1  }
0x2: {  	[smem:$0x3F98] =	sst lr;
	_ =	strace $0xD0000000  }
0x3: {  	_ = 	snop  }
0x4: {  	_ = 	snop  }
0x5: {  	_ = 	snop  }
0x6: {  	_ = 	snop  }
0x7: {  	_ = 	snop  }
__scs_overlays_trampoline_lowered:
0x8: {  	[smem:$0x3FA7] =	sst s0  }
0x9: {  	[smem:$0x3FA8] =	sst s1  }
0xa: {  	[smem:$0x3FA9] =	sst s2  }
0xb: {  	[smem:$0x3FAA] =	sst s3  }
0xc: {  	[smem:$0x3FAB] =	sst s4  }
0xd: {  	[smem:$0x3FAC] =	sst s5  }
0xe: {  	[smem:$0x3FAD] =	sst s6  }
0xf: {  	[smem:$0x3FAE] =	sst s7  }
0x10: {  	[smem:$0x3FAF] =	sst s8  }
0x11: {  	[smem:$0x3FB0] =	sst s9;
	s0 =	simm.s32 @!p0 $0x0  }
0x12: {  	s1 =	sld [smem:$0x3F96];
	s0 =	simm.s32 @p0 $0x1  }
0x13: {  	[smem:$0x3FB1] =	sst s0;
	s0 =	simm.s32 @!p1 $0x0  }
0x14: {  	s2 =	sld [smem:$0x3F95];
	s0 =	simm.s32 @p1 $0x1  }
0x15: {  	[smem:$0x3FB2] =	sst s0;
	s0 =	simm.s32 @!p2 $0x0  }
0x16: {  	s3 =	sld [smem:$0x3FDB];
	s0 =	simm.s32 @p2 $0x1  }
0x17: {  	s4 =	simm.s32 $0x1BF5;
	[smem:$0x3FB4] =	sst s0  }
0x18: {  	s0 =	sld [smem:$0x3F97];
	_ =	swait.ge [sflag:s4], $0x0  }
0x19: {  	s7 =	sld [smem:$0x3F98]  }
0x1a: {  	s8 =	sadd.s32 $0xFFFFE003, lr  }
0x1b: {  	s9 =	sadd.s32 $0xFFFFFEF7, lr;
	s5 =	simm.s32 $0xFFFFFFFF;
	p2 =	slt.u32 s8, $0xFFFFF086  }
0x1c: {  	p1 =	slt.u32 s9, $0xF7A;
	s5 =	simm.s32 @!p2 $0x0  }
0x1d: {  	s5 =	simm.s32 @p1 $0x1;
	p0 =	seq.s32 s7, s2  }
0x1e: {  	s7 =	smul.u32 @!p0 $0xF7A, s2;
	p2 =	seq.s32 @!p0 s5, $0x0  }
0x1f: {  	s9 =	smul.u32 $0xF7A, s1;
	s8 =	simm.s32 @!p0 $0x1BF5;
	p2 =	por !p2, p0  }
0x20: {  	[sflag:s8] =	ssyncset.s32 @!p0 $0xFFFFF086;
	s6 =	sadd.s32 @!p0 s3, s7;
	s7 =	simm.s32 @!p0 $0x108  }
0x21: {  	s3 =	sadd.s32 s3, s9;
	s6 =	sadd.s32 @!p0 $0x88, s6;
	s7 =	simm.s32 @p2 $0x1082  }
0x22: {  	[simem:s7], [sflag:s8] =	dma.local @!p0 [hbm:s6], $0xF7A  }
0x23: {  	s9 =	sor.u32 $0xD0000000, s2;
	s6 =	simm.s32 $0x108;
	_ =	swait.ge @!p0 [sflag:s8], $0x0  }
0x24: {  	s3 =	sadd.s32 $0x88, s3;
	s6 =	simm.s32 @!p1 $0x1082;
	[sflag:s4] =	ssyncset.s32 $0xFFFFF086  }
0x25: {  	[simem:s6], [sflag:s4] =	dma.local [hbm:s3], $0xF7A  }
0x26: {  	[smem:$0x3F98] =	sst s1;
	(tag) =	ssettag s2;
	_ =	strace s9  }
0x27: {  	s1 =	sld [smem:$0x3FA8]  }
0x28: {  	s2 =	sld [smem:$0x3FA9]  }
0x29: {  	s4 =	sld [smem:$0x3FAB]  }
0x2a: {  	p0 =	seq.s32 s5, $0x0;
	s5 =	sld [smem:$0x3FAC]  }
0x2b: {  	s6 =	sld [smem:$0x3FAD]  }
0x2c: {  	s7 =	sld [smem:$0x3FAE]  }
0x2d: {  	s3 =	simm.s32 $0x108;
	s8 =	sld [smem:$0x3FAF]  }
0x2e: {  	s3 =	simm.s32 @!p0 $0x1082;
	s9 =	sld [smem:$0x3FB0]  }
0x2f: {  	lr =	sadd.s32 s0, s3;
	s0 =	sld [smem:$0x3FA7]  }
0x30: {  	s3 =	sld [smem:$0x3FAA]  }
0x31: {  	[smem:$0x3FB3] =	sst s10  }
0x32: {  	s10 =	sld [smem:$0x3FB1];
	_ =	sdelay $0x3  }
0x33: {  	p0 =	seq.s32 s10, $0x1;
	s10 =	sld [smem:$0x3FB3];
	_ =	sdelay $0x3  }
0x34: {  	[smem:$0x3FB3] =	sst s10  }
0x35: {  	s10 =	sld [smem:$0x3FB2];
	_ =	sdelay $0x3  }
0x36: {  	p1 =	seq.s32 s10, $0x1;
	s10 =	sld [smem:$0x3FB3];
	_ =	sdelay $0x3  }
0x37: {  	[smem:$0x3FB3] =	sst s10  }
0x38: {  	s10 =	sld [smem:$0x3FB4]  }
0x39: {  	_ = 	snop;
	(pc) =	sbr.ind lr, $3  }
0x3a: {  	_ = 	snop  }
0x3b: {  	_ = 	snop  }
0x3c: {  	p2 =	seq.s32 s10, $0x1;
	s10 =	sld [smem:$0x3FB3]  }
0x3d: {  	_ =	shalt  }
0x3e: {  	_ =	shalt  }
0x3f: {  	_ =	shalt  }
0x40: {  	_ =	shalt  }
0x41: {  	_ =	shalt  }
0x42: {  	_ =	shalt  }
0x43: {  	_ =	shalt  }
0x44: {  	_ =	shalt  }
0x45: {  	_ =	shalt  }
0x46: {  	_ =	shalt  }
0x47: {  	_ =	shalt  }
0x48: {  	_ =	shalt  }
0x49: {  	_ =	shalt  }
0x4a: {  	_ =	shalt  }
0x4b: {  	_ =	shalt  }
0x4c: {  	_ =	shalt  }
0x4d: {  	_ =	shalt  }
0x4e: {  	_ =	shalt  }
0x4f: {  	_ =	shalt  }
0x50: {  	_ =	shalt  }
0x51: {  	_ =	shalt  }
0x52: {  	_ =	shalt  }
0x53: {  	_ =	shalt  }
0x54: {  	_ =	shalt  }
0x55: {  	_ =	shalt  }
0x56: {  	_ =	shalt  }
0x57: {  	_ =	shalt  }
0x58: {  	_ =	shalt  }
0x59: {  	_ =	shalt  }
0x5a: {  	_ =	shalt  }
0x5b: {  	_ =	shalt  }
0x5c: {  	_ =	shalt  }
0x5d: {  	_ =	shalt  }
0x5e: {  	_ =	shalt  }
0x5f: {  	_ =	shalt  }
0x60: {  	_ =	shalt  }
0x61: {  	_ =	shalt  }
0x62: {  	_ =	shalt  }
0x63: {  	_ =	shalt  }
0x64: {  	_ =	shalt  }
0x65: {  	_ =	shalt  }
0x66: {  	_ =	shalt  }
0x67: {  	_ =	shalt  }
0x68: {  	_ =	shalt  }
0x69: {  	_ =	shalt  }
0x6a: {  	_ =	shalt  }
0x6b: {  	_ =	shalt  }
0x6c: {  	_ =	shalt  }
0x6d: {  	_ =	shalt  }
0x6e: {  	_ =	shalt  }
0x6f: {  	_ =	shalt  }
0x70: {  	_ =	shalt  }
0x71: {  	_ =	shalt  }
0x72: {  	_ =	shalt  }
0x73: {  	_ =	shalt  }
0x74: {  	_ =	shalt  }
0x75: {  	_ =	shalt  }
0x76: {  	_ =	shalt  }
0x77: {  	_ =	shalt  }
0x78: {  	_ =	shalt  }
0x79: {  	_ =	shalt  }
0x7a: {  	_ =	shalt  }
0x7b: {  	_ =	shalt  }
0x7c: {  	_ =	shalt  }
0x7d: {  	_ =	shalt  }
0x7e: {  	_ =	shalt  }
0x7f: {  	_ =	shalt  }
0x80: {  	_ =	shalt  }
0x81: {  	_ =	shalt  }
0x82: {  	_ =	shalt  }
0x83: {  	_ =	shalt  }
0x84: {  	_ =	shalt  }
0x85: {  	_ =	shalt  }
0x86: {  	_ =	shalt  }
0x87: {  	_ =	shalt  }
.Lfunc_end0:
.L_simem_size_0:
called_computation_lowered:
.L_overlay_start_0:
0x88: {  	s2 =	sld [smem:$0x3FD9]  }
0x89: {  	s3 =	sld [smem:$0x3FFE];
	_ =	sdelay $0x1  }
0x8a: {  	s1 =	srdreg.scid  }
0x8b: {  	s0 =	sand.u32 $0x1, s1  }
0x8c: {  	s16 =	sshll.u32 s0, $0xA;
	s2 =	sadd.s32 s3, s2  }
0x8d: {  	s2 =	sadd.s32 s2, s16  }
0x8e: {  	[smem:$0x3FBF] =	sst s2  }
0x8f: {  	_ = 	snop  }
0x90: {  	(tm) =	ssettm $0x1  }
0x91: {  	s17 =	sld [smem:$0x3FFB];
	_ =	sdelay $0x3  }
0x92: {  	_ =	strace s17  }
0x93: {  	s2 =	sld [smem:$0x3FFC];
	_ =	sdelay $0x3  }
0x94: {  	_ =	strace s2  }
0x95: {  	s2 =	sld [smem:$0x3FFD];
	_ =	sdelay $0x3  }
0x96: {  	_ =	strace s2  }
0x97: {  	_ =	strace $0x8FFFFFFF  }
0x98: {  	s18 =	sld [smem:$0x3FDB];
	_ =	sdelay $0x1  }
0x99: {  	s19 =	simm.s32 $_scs_section_size  }
0x9a: {  	s4 =	simm.s32 $_size__tile_overlayer_lowered;
	s5 =	simm.s32 $_tile_overlayer_lowered  }
0x9b: {  	s22 =	simm.s32 $0x1BFF;
	s21 =	sshll.u32 s5, $0x1;
	s2 =	sadd.s32 s19, s18  }
0x9c: {  	s6 =	simm.s32 $0x0;
	s20 =	sshll.u32 s4, $0x1;
	s4 =	sadd.s32 s21, s2  }
0x9d: {  	[timem:s6], [sflag:s22] =	dma.local [hbm:s4], s20  }
0x9e: {  	_ =	swait.ge [sflag:s22], s20  }
0x9f: {  	s3 =	ssub.s32 $0x0, s20;
	[sflag:s22] =	ssyncset.done $0x0  }
0xa0: {  	[sflag:s22] =	ssyncadd.s32 s3;
	_ =	sdelay $0x1  }
0xa1: {  	s23 =	simm.s32 $0x1B8B  }
0xa2: {  	_ =	swait.ge [sflag:s23], $0x1  }
0xa3: {  	[sflag:s23] =	ssyncset.done $0x0  }
0xa4: {  	s25 =	simm.s32 $0x1B8E;
	s24 =	sld [smem:$0x3FFE];
	[sflag:s23] =	ssyncadd.s32 $0xFFFFFFFF  }
0xa5: {  	s26 =	simm.s32 $execute0_lowered;
	[smem:$0x3FD2] =	sst s25  }
0xa6: {  	s4 =	sshll.u32 s26, $0x1;
	_ =	strace $0x80000046;
	[dreg:$0x1] =	wrdreg $0xFFFFFFFF  }
0xa7: {  	s28 =	simm.s32 $_size_execute0_lowered;
	s2 =	sadd.s32 s2, s4;
	[dreg:$0x0] =	wrdreg $0x0  }
0xa8: {  	s4 =	sshll.u32 s28, $0x1;
	[dreg:$0x2] =	wrdreg s2  }
0xa9: {  	[dreg:$0x3] =	wrdreg s4  }
0xaa: {  	[dreg:$0x4] =	wrdreg $0xC0  }
0xab: {  	_ =	task [dreg:s6], $0x5FFFF  }
0xac: {  	[dreg:$0x1] =	wrdreg $0xFFFFFFFF  }
0xad: {  	[dreg:$0x0] =	wrdreg $0x60  }
0xae: {  	[dreg:$0x2] =	wrdreg s24  }
0xaf: {  	[dreg:$0x3] =	wrdreg $0x9  }
0xb0: {  	_ =	task.clear_ibuf [dreg:s6], $0x4FFFF;
	_ =	strace $0x90000046  }
0xb1: {  	s29 =	simm.s32 $0x9;
	_ =	strace $0x80000048  }
0xb2: {  	_ =	swait.ge [sflag:s29], $0x1  }
0xb3: {  	[sflag:s29] =	ssyncadd.s32 $0xFFFFFFFF  }
0xb4: {  	_ =	strace $0x90000048  }
0xb5: {  	_ =	sfence  }
0xb6: {  	s30 =	sld [smem:$0x0];
	_ =	sdelay $0x2  }
0xb7: {  	s31 =	sshll.u32 s1, $0xD;
	s1 =	sshrl.u32 s1, $0x2  }
0xb8: {  	s3 =	sand.u32 $0x4000, s31;
	s1 =	sadd.s32 s1, s30  }
0xb9: {  	s0 =	sor.u32 s3, s0;
	s1 =	sshll.u32 s1, $0x11  }
0xba: {  	s0 =	sor.u32 s1, s0  }
0xbb: {  	s0 =	sadd.s32 $0x8F2B, s0  }
0xbc: {  	[sflag:s0] =	ssyncadd.remote.s32 $0x1  }
0xbd: {  	_ =	sfence.sel $0xFFFF  }
0xbe: {  	[dreg:$0x0] =	wrdreg $0xFFFFFFFF;
	(pc) =	sbr.abs _section_cstart, $3  }
0xbf: {  	[dreg:$0x1] =	wrdreg $0xFFFFFFFF  }
0xc0: {  	_ =	task.clear_ibuf [dreg:s6], $0x2FFFF;
	_ =	strace $0x9FFFFFFF  }
0xc1: {  	(tm) =	ssettm $0x7FFFFFFF  }
tec
execute0_lowered:
.L_overlay_start_1:
0x0: {  	(tag) =	ssettag $0x1  }
0x1: {  	s0 =	rddreg [dreg:$0x0];
	s1 =	simm.s32 $0x0  }
0x2: {  	s3 =	srdreg.scid;
	s6 =	stileid.u32;
	s31 =	simm.s32 $0x14960  }
0x3: {  	s29 =	simm.s32 $0x1;
	s30 =	simm.s32 $0x2;
	s28 =	simm.s32 $0x0  }
0x4: {  	[smem:$0x7FF] =	sst s1;
	s2 =	sadd.s32 $0x1400, s0;
	s3 =	sand.u32 $0x1, s3  }
0x5: {  	s4 =	sadd.s32 $0x2C200, s0;
	s12 =	sadd.s32 $0x3D200, s0;
	s5 =	sshll.u32 s3, $0x4  }
0x6: {  	s14 =	sadd.s32 $0x41E00, s0;
	s16 =	sadd.s32 $0x43200, s0;
	s15 =	sor.u32 s6, s5  }
0x7: {  	s17 =	sadd.s32 $0x43800, s0;
	s19 =	sadd.s32 $0x44400, s0;
	s13 =	smul.u32 $0x1564, s15  }
0x8: {  	s11 =	sadd.s32 $0x43A00, s0;
	s20 =	sadd.s32 $0x45400, s0;
	s6 =	smul.u32 $0x876, s15  }
0x9: {  	_ =	strace $0x80000047;
	s3 =	ssub.s32 $0x2, s3;
	s9 =	smul.u32 $0x258, s15  }
0xa: {  	[dreg:$0x2] =	wrdreg s11;
	s8 =	sshrl.u32 s3, $0x1;
	s18 =	smul.u32 $0x96, s15  }
0xb: {  	s7 =	sshll.u32 s15, $0x1;
	s23 =	smul.u32 $0x24, s15;
	s21 =	sshllo.u32 s15, $0x1  }
0xc: {  	s3 =	ssub.s32 s3, s8;
	s24 =	sshll.u32 s15, $0x2;
	s10 =	smul.u32 $0xAB2, s21  }
0xd: {  	s26 =	sshll.u32 s15, $0x7;
	s22 =	sadd.s32 s7, s0;
	s11 =	smul.u32 $0x43B, s21  }
0xe: {  	s25 =	smul.u32 $0x4B, s21;
	s0 =	sadd.s32 $0x45800, s0;
	s5 =	sadd.s32 s2, s13  }
0xf: {  	s7 =	sadd.s32 s14, s18;
	s8 =	sadd.s32 s16, s23;
	s13 =	smul.u32 $0x12C, s21  }
0x10: {  	s18 =	smul.u32 $0x12, s21;
	s23 =	sshll.u32 s15, $0xC;
	s22 =	sadd.s32 $0x65400, s22  }
0x11: {  	[dreg:$0x3] =	wrdreg s5;
	s5 =	sadd.s32 s4, s6;
	s6 =	sadd.s32 s12, s9  }
0x12: {  	s9 =	sadd.s32 s17, s24;
	s10 =	sadd.s32 s2, s10;
	s11 =	sadd.s32 s4, s11  }
0x13: {  	s14 =	sadd.s32 s14, s25;
	s15 =	sadd.s32 s20, s23;
	s24 =	sshll.u32 s21, $0x1  }
0x14: {  	s25 =	sshll.u32 s21, $0x6;
	s2 =	simm.s32 $0x14B60;
	s12 =	sadd.s32 s12, s13  }
0x15: {  	s13 =	sadd.s32 s19, s26;
	s16 =	sadd.s32 s16, s18;
	s17 =	sadd.s32 s17, s24  }
0x16: {  	s18 =	sadd.s32 s23, s0;
	s19 =	sadd.s32 s19, s25;
	s26 =	sshll.u32 s21, $0xB  }
0x17: {  	s23 =	smax.u32 s3, $0x1;
	s24 =	simm.s32 $0x10780;
	s25 =	simm.s32 $0x83C0  }
0x18: {  	s20 =	sadd.s32 s20, s26;
	s21 =	sadd.s32 s26, s0;
	s26 =	simm.s32 $0x3  }
.LBB2_1:
0x19: {  	s0 =	rddreg [dreg:$0x2]  }
0x1a: {  	[tilespmem:s24], [sflag:$0x1] =	stream.linear.gather [hbm4b:s0+s1], $0x41E0, $0x38;
	[tilespmem:$0x1CD70] =	vst v63  }
0x1b: {  	s4 =	rddreg [dreg:$0x3]  }
0x1c: {  	[tilespmem:s1], [sflag:$0x1] =	stream.linear.gather [hbm4b:s4+s1], $0x5590, $0x38;
	[tilespmem:$0x1CD70] =	vst v63  }
0x1d: {  	s3 =	simm.s32 $0x5590  }
0x1e: {  	[tilespmem:s3], [sflag:$0x1] =	stream.linear.gather [hbm4b:s5+s1], $0x21D8, $0x38;
	[tilespmem:$0x1CD70] =	vst v63  }
0x1f: {  	s4 =	simm.s32 $0x7768  }
0x20: {  	[tilespmem:s4], [sflag:$0x1] =	stream.linear.gather [hbm4b:s6+s1], $0x960, $0x38;
	[tilespmem:$0x1CD70] =	vst v63  }
0x21: {  	s3 =	simm.s32 $0x80C8  }
0x22: {  	[tilespmem:s3], [sflag:$0x1] =	stream.linear.gather [hbm4b:s7+s1], $0x258, $0x38;
	[tilespmem:$0x1CD70] =	vst v63  }
0x23: {  	s4 =	simm.s32 $0x8320  }
0x24: {  	[tilespmem:s4], [sflag:$0x1] =	stream.linear.gather [hbm4b:s8+s1], $0x90, $0x38;
	[tilespmem:$0x1CD70] =	vst v63  }
0x25: {  	s3 =	simm.s32 $0x83B0  }
0x26: {  	[tilespmem:s3], [sflag:$0x1] =	stream.linear.gather [hbm4b:s9+s1], $0x10, $0x38;
	[tilespmem:$0x1CD70] =	vst v63  }
0x27: {  	_ = 	snop  }
0x28: {  	[tilespmem:s31], [sflag:$0x1] =	stream.linear.gather [hbm4b:s13+s1], $0x200, $0x38;
	[tilespmem:$0x1CD70] =	vst v63  }
0x29: {  	s4 =	simm.s32 $0x14D60  }
0x2a: {  	[tilespmem:s4], [sflag:$0x1] =	stream.linear.gather [hbm4b:s15+s1], $0x2000, $0x38;
	[tilespmem:$0x1CD70] =	vst v63  }
0x2b: {  	s3 =	simm.s32 $0x18D60  }
0x2c: {  	[tilespmem:s3], [sflag:$0x1] =	stream.linear.gather [hbm4b:s18+s1], $0x2000, $0x38;
	[tilespmem:$0x1CD70] =	vst v63  }
0x2d: {  	_ = 	snop  }
0x2e: {  	[tilespmem:s25], [sflag:$0x2] =	stream.linear.gather [hbm4b:s10+s1], $0x5590, $0x38;
	[tilespmem:$0x1CD70] =	vst v63  }
0x2f: {  	s4 =	simm.s32 $0xD950  }
0x30: {  	[tilespmem:s4], [sflag:$0x2] =	stream.linear.gather [hbm4b:s11+s1], $0x21D8, $0x38;
	[tilespmem:$0x1CD70] =	vst v63  }
0x31: {  	s3 =	simm.s32 $0xFB28  }
0x32: {  	[tilespmem:s3], [sflag:$0x2] =	stream.linear.gather [hbm4b:s12+s1], $0x960, $0x38;
	[tilespmem:$0x1CD70] =	vst v63  }
0x33: {  	s4 =	simm.s32 $0x10488  }
0x34: {  	[tilespmem:s4], [sflag:$0x2] =	stream.linear.gather [hbm4b:s14+s1], $0x258, $0x38;
	[tilespmem:$0x1CD70] =	vst v63  }
0x35: {  	s3 =	simm.s32 $0x106E0  }
0x36: {  	[tilespmem:s3], [sflag:$0x2] =	stream.linear.gather [hbm4b:s16+s1], $0x90, $0x38;
	[tilespmem:$0x1CD70] =	vst v63  }
0x37: {  	s4 =	simm.s32 $0x10770  }
0x38: {  	[tilespmem:s4], [sflag:$0x2] =	stream.linear.gather [hbm4b:s17+s1], $0x10, $0x38;
	[tilespmem:$0x1CD70] =	vst v63  }
0x39: {  	_ = 	snop  }
0x3a: {  	[tilespmem:s2], [sflag:$0x2] =	stream.linear.gather [hbm4b:s19+s1], $0x200, $0x38;
	[tilespmem:$0x1CD70] =	vst v63  }
0x3b: {  	s3 =	simm.s32 $0x16D60  }
0x3c: {  	[tilespmem:s3], [sflag:$0x2] =	stream.linear.gather [hbm4b:s20+s1], $0x2000, $0x38;
	[tilespmem:$0x1CD70] =	vst v63  }
0x3d: {  	s4 =	simm.s32 $0x1AD60  }
0x3e: {  	[tilespmem:s4], [sflag:$0x2] =	stream.linear.gather [hbm4b:s21+s1], $0x2000, $0x38;
	[tilespmem:$0x1CD70] =	vst v63  }
0x3f: {  	_ =	swait.ge [sflag:s29], $0x41E0  }
0x40: {  	[sflag:s29] =	ssyncset.done $0x0  }
0x41: {  	[sflag:s29] =	ssyncadd.s32 $0xFFFFBE20  }
0x42: {  	_ =	swait.ge [sflag:s29], $0x5590  }
0x43: {  	[sflag:s29] =	ssyncset.done $0x0  }
0x44: {  	[sflag:s29] =	ssyncadd.s32 $0xFFFFAA70  }
0x45: {  	_ =	swait.ge [sflag:s29], $0x21D8  }
0x46: {  	[sflag:s29] =	ssyncset.done $0x0  }
0x47: {  	[sflag:s29] =	ssyncadd.s32 $0xFFFFDE28  }
0x48: {  	_ =	swait.ge [sflag:s29], $0x960  }
0x49: {  	[sflag:s29] =	ssyncset.done $0x0  }
0x4a: {  	[sflag:s29] =	ssyncadd.s32 $0xFFFFF6A0  }
0x4b: {  	_ =	swait.ge [sflag:s29], $0x258  }
0x4c: {  	[sflag:s29] =	ssyncset.done $0x0  }
0x4d: {  	[sflag:s29] =	ssyncadd.s32 $0xFFFFFDA8  }
0x4e: {  	_ =	swait.ge [sflag:s29], $0x90  }
0x4f: {  	[sflag:s29] =	ssyncset.done $0x0  }
0x50: {  	[sflag:s29] =	ssyncadd.s32 $0xFFFFFF70  }
0x51: {  	_ =	swait.ge [sflag:s29], $0x10  }
0x52: {  	[sflag:s29] =	ssyncset.done $0x0  }
0x53: {  	[sflag:s29] =	ssyncadd.s32 $0xFFFFFFF0  }
0x54: {  	_ =	swait.ge [sflag:s29], $0x200  }
0x55: {  	[sflag:s29] =	ssyncset.done $0x0  }
0x56: {  	[sflag:s29] =	ssyncadd.s32 $0xFFFFFE00  }
0x57: {  	_ =	swait.ge [sflag:s29], $0x2000  }
0x58: {  	[sflag:s29] =	ssyncset.done $0x0  }
0x59: {  	[sflag:s29] =	ssyncadd.s32 $0xFFFFE000  }
0x5a: {  	_ =	swait.ge [sflag:s29], $0x2000  }
0x5b: {  	[sflag:s29] =	ssyncset.done $0x0  }
0x5c: {  	s3 =	simm.s32 $0x14D80;
	[sflag:s29] =	ssyncadd.s32 $0xFFFFE000  }
0x5d: {  	s0 =	simm.s32 $0x18D80;
	v0 =	vld [tilespmem:s3+$0x10]  }
0x5e: {  	v1 =	vld [tilespmem:s0+$0x10]  }
0x5f: {  	v2 =	vld [tilespmem:s3+$0x0]  }
0x60: {  	v4 =	vld [tilespmem:s0+$0x0]  }
0x61: {  	v7 =	vld [tilespmem:s3+$0xFFFFFFF0]  }
0x62: {  	v8 =	vld [tilespmem:s0+$0xFFFFFFF0]  }
0x63: {  	v10 =	vld [tilespmem:s0+$0xFFFFFFE0]  }
0x64: {  	v11 =	vld [tilespmem:s3+$0xFFFFFFE0];
	_ =	sdelay $0x1  }
0x65: {  	v6 =	vimm.f32 $0.0e+00;
	v13 =	vadd.s32 $0x100, v1;
	v12 =	vld.idx.msk [tilespmem:v0+s24+$0x0], $0xffff  }
0x66: {  	v3 =	vshll.u32 v0, $0x2;
	v14 =	vadd.s32 $0x100, v4;
	v5 =	vshll.u32 v2, $0x2;
	v1 =	vld.idx.msk [tilespmem:v1+s31+$0x0], $0xffff  }
0x67: {  	v16 =	vadd.s32 $0x100, v8;
	v9 =	vshll.u32 v7, $0x2;
	v18 =	vadd.s32 $0x100, v10;
	v15 =	vld.idx.msk [tilespmem:v2+s24+$0x0], $0xffff  }
0x68: {  	v19 =	vshll.u32 v11, $0x2;
	v21 =	vadd.s32 $0x20F0, v11;
	v22 =	vadd.s32 $0x20F0, v7;
	v17 =	vld.idx.msk [tilespmem:v4+s31+$0x0], $0xffff  }
0x69: {  	v23 =	vor.u32 $0x3, v3;
	v24 =	vor.u32 $0x3, v5;
	v25 =	vor.u32 $0x2, v3;
	v20 =	vld.idx.msk [tilespmem:v7+s24+$0x0], $0xffff  }
0x6a: {  	v26 =	vor.u32 $0x2, v9;
	v27 =	vor.u32 $0x3, v9;
	v28 =	vor.u32 $0x2, v5;
	v7 =	vld.idx.msk [tilespmem:v8+s31+$0x0], $0xffff  }
0x6b: {  	v30 =	vor.u32 $0x2, v19;
	v31 =	vor.u32 $0x3, v19;
	v39 =	vor.u32 $0x1, v9;
	v10 =	vld.idx.msk [tilespmem:v10+s31+$0x0], $0xffff  }
0x6c: {  	v0 =	vadd.s32 $0x20F0, v0;
	v2 =	vadd.s32 $0x20F0, v2;
	v29 =	vld.idx.msk [tilespmem:v11+s24+$0x0], $0xffff;
	v8 =	vand.u32 $0xFFFF0000, v1  }
0x6d: {  	v1 =	vshll.u32 v1, $0x10;
	v11 =	vshll.u32 v12, $0x10;
	v12 =	vand.u32 $0xFFFF0000, v12  }
0x6e: {  	v13 =	vld.idx.msk [tilespmem:v13+s31+$0x0], $0xffff;
	v32 =	vshll.u32 v17, $0x10;
	v17 =	vand.u32 $0xFFFF0000, v17;
	v33 =	vand.u32 $0xFFFF0000, v15  }
0x6f: {  	v14 =	vld.idx.msk [tilespmem:v14+s31+$0x0], $0xffff;
	v34 =	vand.u32 $0xFFFF0000, v7;
	v35 =	vand.u32 $0xFFFF0000, v20;
	v15 =	vshll.u32 v15, $0x10  }
0x70: {  	v16 =	vld.idx.msk [tilespmem:v16+s31+$0x0], $0xffff;
	v36 =	vand.u32 $0xFFFF0000, v10;
	v37 =	vshll.u32 v7, $0x10;
	v20 =	vshll.u32 v20, $0x10  }
0x71: {  	v60 =	vld.idx.msk [tilespmem:v22+s24+$0x0], $0xffff;
	v38 =	vand.u32 $0xFFFF0000, v29;
	v7 =	vsub.f32 v1, v11;
	v8 =	vsub.f32 v8, v12  }
0x72: {  	v21 =	vld.idx.msk [tilespmem:v21+s24+$0x0], $0xffff;
	v58 =	vshll.u32 v10, $0x10;
	v10 =	vsub.f32 v32, v15;
	v11 =	vsub.f32 v17, v33  }
0x73: {  	v59 =	vshll.u32 v29, $0x10;
	v1 =	vld.idx.msk [tilespmem:v18+s31+$0x0], $0xffff;
	v17 =	vsub.f32 v37, v20;
	v18 =	vsub.f32 v34, v35  }
0x74: {  	v4 =	vor.u32 $0x1, v3;
	v27 =	vld.idx.msk [tilespmem:v27+s1+$0x0], $0xffff;
	v12 =	vsub.f32 v58, v59;
	v61 =	vsub.f32 v36, v38  }
0x75: {  	v0 =	vld.idx.msk [tilespmem:v0+s24+$0x0], $0xffff;
	v38 =	vor.u32 $0x1, v5;
	v62 =	vand.u32 $0xFFFF0000, v13;
	v63 =	vshll.u32 v14, $0x10  }
0x76: {  	v2 =	vld.idx.msk [tilespmem:v2+s24+$0x0], $0xffff;
	v14 =	vand.u32 $0xFFFF0000, v14;
	v13 =	vshll.u32 v13, $0x10;
	v40 =	vshll.u32 v16, $0x10  }
0x77: {  	v26 =	vld.idx.msk [tilespmem:v26+s1+$0x0], $0xffff;
	v16 =	vand.u32 $0xFFFF0000, v16;
	v44 =	vand.u32 $0xFFFF0000, v60;
	v20 =	vshll.u32 v60, $0x10  }
0x78: {  	v45 =	vand.u32 $0xFFFF0000, v21;
	v21 =	vshll.u32 v21, $0x10;
	v16 =	vsub.f32 v16, v44  }
0x79: {  	v32 =	vsub.f32 v40, v20;
	v37 =	vsub.f32 $0.0e+00, v45;
	v40 =	vor.u32 $0x1, v19  }
0x7a: {  	v36 =	vsub.f32 $0.0e+00, v44;
	v20 =	vsub.f32 $0.0e+00, v20;
	v41 =	vshll.u32 v0, $0x10  }
0x7b: {  	v0 =	vand.u32 $0xFFFF0000, v0;
	v43 =	vshll.u32 v2, $0x10;
	v16 =	vsub.f32 v27, v16  }
0x7c: {  	v2 =	vand.u32 $0xFFFF0000, v2;
	v26 =	vsub.f32 v26, v32;
	v22 =	vsub.f32 v62, v0  }
0x7d: {  	v23 =	vld.idx.msk [tilespmem:v23+s1+$0x0], $0xffff;
	v37 =	vmul.f32 $1.442695020e+00, v37;
	v14 =	vsub.f32 v14, v2;
	v13 =	vsub.f32 v13, v41  }
0x7e: {  	v24 =	vld.idx.msk [tilespmem:v24+s1+$0x0], $0xffff;
	v20 =	vmul.f32 $1.442695020e+00, v20;
	v29 =	vsub.f32 v63, v43;
	v33 =	vsub.f32 $0.0e+00, v41  }
0x7f: {  	v25 =	vld.idx.msk [tilespmem:v25+s1+$0x0], $0xffff;
	v42 =	vshll.u32 v1, $0x10;
	v0 =	vsub.f32 $0.0e+00, v0;
	v35 =	vsub.f32 $0.0e+00, v43  }
0x80: {  	v28 =	vld.idx.msk [tilespmem:v28+s1+$0x0], $0xffff;
	v1 =	vand.u32 $0xFFFF0000, v1;
	v34 =	vsub.f32 v42, v21;
	v21 =	vsub.f32 $0.0e+00, v21  }
0x81: {  	v51 =	vmul.f32 $1.442695020e+00, v36;
	v2 =	vsub.f32 $0.0e+00, v2;
	v1 =	vsub.f32 v1, v45  }
0x82: {  	v31 =	vld.idx.msk [tilespmem:v31+s1+$0x0], $0xffff;
	(erf) = vpow2.f32 v37;
	v16 =	vand.u32 $0x7FFFFFFF, v16;
	v21 =	vmul.f32 $1.442695020e+00, v21  }
0x83: {  	v46 =	vld.idx.msk [tilespmem:v30+s1+$0x0], $0xffff;
	v22 =	vsub.f32 v23, v22;
	v14 =	vsub.f32 v24, v14;
	v47 =	vmul.f32 $1.442695020e+00, v33  }
0x84: {  	v13 =	vsub.f32 v25, v13;
	v0 =	vmul.f32 $1.442695020e+00, v0;
	(erf) = vpow2.f32 v21  }
0x85: {  	v48 =	vsub.f32 v28, v29;
	v49 =	vmul.f32 $1.442695020e+00, v35;
	(erf) = vpow2.f32 v47  }
0x86: {  	v2 =	vmul.f32 $1.442695020e+00, v2;
	vm2 =	vlt.f32 v16, $1.000000000e+00;
	(erf) = vpow2.f32 v0  }
0x87: {  	v27 =	vadd.f32 $-5.000000000e-01, v16;
	v30 =	vmul.f32 $5.000000000e-01, v16;
	(erf) = vpow2.f32 v49  }
0x88: {  	v50 =	vsub.f32 v31, v1;
	v23 =	vsub.f32 v46, v34;
	(erf) = vpow2.f32 v2  }
0x89: {  	v19 =	vld.idx.msk [tilespmem:v19+s1+$0x0], $0xffff;
	v1 =	vand.u32 $0x7FFFFFFF, v13;
	v13 =	vand.u32 $0x7FFFFFFF, v48;
	(erf) = vpow2.f32 v20  }
0x8a: {  	v14 =	vand.u32 $0x7FFFFFFF, v14;
	v52 =	vand.u32 $0x7FFFFFFF, v23;
	(erf) = vpow2.f32 v51  }
0x8b: {  	v53 =	vld.idx.msk [tilespmem:v40+s1+$0x0], $0xffff;
	v21 =	vand.u32 $0x7FFFFFFF, v50;
	vm0 =	vlt.f32 v13, $1.000000000e+00;
	v24 =	vmul.f32 $5.000000000e-01, v14;
	v54 =	vpop (erf)  }
0x8c: {  	v25 =	vmul.f32 $5.000000000e-01, v13;
	vm3 =	vlt.f32 v21, $1.000000000e+00;
	v12 =	vmul.f32 v54, v12  }
0x8d: {  	v56 =	vadd.f32 $-5.000000000e-01, v21;
	vm4 =	vlt.f32 v52, $1.000000000e+00;
	v59 =	vadd.f32 $-5.000000000e-01, v52;
	v55 =	vpop (erf)  }
0x8e: {  	v62 =	vmul.f32 $5.000000000e-01, v21;
	v12 =	vsub.f32 v19, v12;
	v15 =	vmul.f32 v55, v61;
	v28 =	vpop (erf)  }
0x8f: {  	v0 =	vand.u32 $0x7FFFFFFF, v22;
	v22 =	vand.u32 $0x7FFFFFFF, v26;
	v26 =	vadd.f32 $-5.000000000e-01, v13;
	v31 =	vpop (erf)  }
0x90: {  	vm1 =	vlt.f32 v22, $1.000000000e+00;
	v12 =	vand.u32 $0x7FFFFFFF, v12;
	v15 =	vsub.f32 v53, v15;
	v57 =	vpop (erf)  }
0x91: {  	v9 =	vld.idx.msk [tilespmem:v9+s1+$0x0], $0xffff;
	v29 =	vmul.f32 $5.000000000e-01, v22;
	v2 =	vadd.f32 $-5.000000000e-01, v14;
	v58 =	vmul.f32 $5.000000000e-01, v12;
	v60 =	vpop (erf)  }
0x92: {  	v51 =	vmul.f32 v62, v21;
	v61 =	vmul.f32 $5.000000000e-01, v52;
	v15 =	vand.u32 $0x7FFFFFFF, v15;
	v63 =	vpop (erf)  }
0x93: {  	v39 =	vld.idx.msk [tilespmem:v39+s1+$0x0], $0xffff;
	v41 =	vadd.f32 $-5.000000000e-01, v12;
	v33 =	vmul.f32 v58, v12;
	v42 =	vmul.f32 $5.000000000e-01, v15;
	v43 =	vpop (erf)  }
0x94: {  	vm5 =	vlt.f32 v12, $1.000000000e+00;
	v45 =	vmul.f32 v63, v18;
	v44 =	vmul.f32 v43, v17  }
0x95: {  	v46 =	vsel vm5, v33, v41;
	v48 =	vadd.f32 $-5.000000000e-01, v15;
	v47 =	vmul.f32 v42, v15  }
0x96: {  	vm15 =	vlt.f32 v15, $1.000000000e+00;
	v6 =	vadd.f32 v46, v6;
	v9 =	vsub.f32 v9, v44  }
0x97: {  	v19 =	vadd.f32 $-5.000000000e-01, v22;
	v50 =	vmul.f32 v61, v52;
	v49 =	vsel vm15, v47, v48  }
0x98: {  	v52 =	vsub.f32 v39, v45;
	v6 =	vadd.f32 v6, v49;
	v9 =	vand.u32 $0x7FFFFFFF, v9  }
0x99: {  	v5 =	vld.idx.msk [tilespmem:v5+s1+$0x0], $0xffff;
	v53 =	vsel vm3, v51, v56;
	v15 =	vsel vm4, v50, v59;
	v54 =	vmul.f32 $5.000000000e-01, v9  }
0x9a: {  	v11 =	vmul.f32 v57, v11;
	v12 =	vand.u32 $0x7FFFFFFF, v52;
	v6 =	vadd.f32 v6, v15  }
0x9b: {  	v55 =	vld.idx.msk [tilespmem:v38+s1+$0x0], $0xffff;
	v57 =	vmul.f32 $5.000000000e-01, v12;
	v56 =	vadd.f32 $-5.000000000e-01, v9;
	v18 =	vmul.f32 v54, v9  }
0x9c: {  	vm3 =	vlt.f32 v9, $1.000000000e+00;
	v9 =	vmul.f32 v60, v10;
	v6 =	vadd.f32 v6, v53  }
0x9d: {  	v59 =	vadd.f32 $-5.000000000e-01, v12;
	v58 =	vmul.f32 v57, v12;
	v10 =	vsel vm3, v18, v56  }
0x9e: {  	vm3 =	vlt.f32 v12, $1.000000000e+00;
	v5 =	vsub.f32 v5, v9;
	v6 =	vadd.f32 v10, v6  }
0x9f: {  	v60 =	vmul.f32 v30, v16;
	v9 =	vsel vm3, v58, v59;
	v10 =	vmul.f32 v29, v22  }
0xa0: {  	v5 =	vand.u32 $0x7FFFFFFF, v5;
	v6 =	vadd.f32 v6, v9;
	v9 =	vsub.f32 v55, v11  }
0xa1: {  	v3 =	vld.idx.msk [tilespmem:v3+s1+$0x0], $0xffff;
	v8 =	vmul.f32 v28, v8;
	v10 =	vsel vm1, v10, v19;
	v61 =	vmul.f32 $5.000000000e-01, v5  }
0xa2: {  	v11 =	vsel vm2, v60, v27;
	v6 =	vadd.f32 v6, v10;
	v9 =	vand.u32 $0x7FFFFFFF, v9  }
0xa3: {  	v62 =	vadd.f32 $-5.000000000e-01, v5;
	v10 =	vld.idx.msk [tilespmem:v4+s1+$0x0], $0xffff;
	v4 =	vmul.f32 v61, v5;
	v63 =	vmul.f32 $5.000000000e-01, v9  }
0xa4: {  	vm1 =	vlt.f32 v5, $1.000000000e+00;
	v5 =	vmul.f32 v31, v7;
	v6 =	vadd.f32 v6, v11  }
0xa5: {  	v4 =	vsel vm1, v4, v62;
	v11 =	vadd.f32 $-5.000000000e-01, v9;
	v7 =	vmul.f32 v63, v9  }
0xa6: {  	vm1 =	vlt.f32 v9, $1.000000000e+00;
	v3 =	vsub.f32 v3, v5;
	v6 =	vadd.f32 v4, v6  }
0xa7: {  	v4 =	vmul.f32 v24, v14;
	v5 =	vsel vm1, v7, v11;
	v7 =	vmul.f32 v25, v13  }
0xa8: {  	v3 =	vand.u32 $0x7FFFFFFF, v3;
	v5 =	vadd.f32 v6, v5;
	v6 =	vsub.f32 v10, v8  }
0xa9: {  	s4 =	simm.s32 $0x14DC0;
	s3 =	simm.s32 $0x0;
	v8 =	vsel vm0, v7, v26;
	vm0 =	vlt.f32 v14, $1.000000000e+00;
	v7 =	vmul.f32 $5.000000000e-01, v3  }
.LBB2_2:
0xaa: {  	v10 =	vld [tilespmem:s4+$0x10];
	v5 =	vadd.f32 v5, v8;
	v2 =	vsel vm0, v4, v2;
	v4 =	vand.u32 $0x7FFFFFFF, v6;
	s0 =	sadd.s32 $0x40, s0  }
0xab: {  	v8 =	vadd.f32 $-5.000000000e-01, v3;
	v6 =	vld [tilespmem:s0+$0x10];
	v7 =	vmul.f32 v7, v3;
	v9 =	vmul.f32 $5.000000000e-01, v4  }
0xac: {  	vm0 =	vlt.f32 v3, $1.000000000e+00;
	v3 =	vmul.f32 $5.000000000e-01, v1;
	v11 =	vld [tilespmem:s4+$0x0];
	v2 =	vadd.f32 v5, v2  }
0xad: {  	v12 =	vld [tilespmem:s0+$0x0];
	v5 =	vsel vm0, v7, v8;
	v7 =	vmul.f32 v9, v4;
	v8 =	vadd.f32 $-5.000000000e-01, v4  }
0xae: {  	vm0 =	vlt.f32 v4, $1.000000000e+00;
	v4 =	vadd.f32 $-5.000000000e-01, v1;
	v13 =	vld [tilespmem:s4+$0xFFFFFFF0];
	v2 =	vadd.f32 v5, v2  }
0xaf: {  	v3 =	vmul.f32 v3, v1;
	v14 =	vld [tilespmem:s0+$0xFFFFFFF0];
	v5 =	vsel vm0, v7, v8;
	v7 =	vmul.f32 $5.000000000e-01, v0  }
0xb0: {  	vm0 =	vlt.f32 v1, $1.000000000e+00;
	v8 =	vld [tilespmem:s0+$0xFFFFFFE0];
	v2 =	vadd.f32 v2, v5  }
0xb1: {  	v3 =	vsel vm0, v3, v4;
	v5 =	vadd.f32 $-5.000000000e-01, v0;
	v1 =	vld [tilespmem:s4+$0xFFFFFFE0];
	v4 =	vmul.f32 v7, v0  }
0xb2: {  	vm0 =	vlt.f32 v0, $1.000000000e+00;
	v15 =	vld.idx.msk [tilespmem:v10+s24+$0x0], $0xffff;
	v2 =	vadd.f32 v2, v3  }
0xb3: {  	v3 =	vshll.u32 v10, $0x2;
	v0 =	vld.idx.msk [tilespmem:v6+s31+$0x0], $0xffff;
	v6 =	vadd.s32 $0x100, v6;
	v4 =	vsel vm0, v4, v5  }
0xb4: {  	v17 =	vadd.s32 $0x100, v12;
	v5 =	vshll.u32 v11, $0x2;
	v16 =	vld.idx.msk [tilespmem:v11+s24+$0x0], $0xffff;
	v7 =	vadd.f32 v2, v4  }
0xb5: {  	v10 =	vadd.s32 $0x20F0, v10;
	v9 =	vshll.u32 v13, $0x2;
	v18 =	vadd.s32 $0x100, v14;
	v12 =	vld.idx.msk [tilespmem:v12+s31+$0x0], $0xffff  }
0xb6: {  	v11 =	vadd.s32 $0x20F0, v11;
	v19 =	vadd.s32 $0x100, v8;
	v2 =	vshll.u32 v1, $0x2;
	v20 =	vld.idx.msk [tilespmem:v13+s24+$0x0], $0xffff  }
0xb7: {  	v22 =	vor.u32 $0x3, v3;
	v21 =	vadd.s32 $0x20F0, v1;
	v13 =	vadd.s32 $0x20F0, v13;
	v14 =	vld.idx.msk [tilespmem:v14+s31+$0x0], $0xffff  }
0xb8: {  	v25 =	vor.u32 $0x2, v3;
	v24 =	vor.u32 $0x3, v5;
	v4 =	vor.u32 $0x1, v3;
	v23 =	vld.idx.msk [tilespmem:v8+s31+$0x0], $0xffff  }
0xb9: {  	v26 =	vor.u32 $0x2, v9;
	v27 =	vor.u32 $0x3, v9;
	v28 =	vor.u32 $0x2, v5;
	v1 =	vld.idx.msk [tilespmem:v1+s24+$0x0], $0xffff  }
0xba: {  	v29 =	vor.u32 $0x2, v2;
	v30 =	vor.u32 $0x3, v2;
	v8 =	vand.u32 $0xFFFF0000, v0  }
0xbb: {  	s3 =	sadd.s32 $0x4, s3;
	v0 =	vshll.u32 v0, $0x10;
	v31 =	vld.idx.msk [tilespmem:v6+s31+$0x0], $0xffff;
	v6 =	vshll.u32 v15, $0x10;
	v15 =	vand.u32 $0xFFFF0000, v15  }
0xbc: {  	p0 =	slt.u32 s3, $0x1FC;
	v33 =	vand.u32 $0xFFFF0000, v16;
	v32 =	vshll.u32 v12, $0x10;
	v12 =	vand.u32 $0xFFFF0000, v12;
	v17 =	vld.idx.msk [tilespmem:v17+s31+$0x0], $0xffff  }
0xbd: {  	v16 =	vshll.u32 v16, $0x10;
	v35 =	vand.u32 $0xFFFF0000, v20;
	v34 =	vand.u32 $0xFFFF0000, v14;
	v18 =	vld.idx.msk [tilespmem:v18+s31+$0x0], $0xffff  }
0xbe: {  	v20 =	vshll.u32 v20, $0x10;
	v14 =	vshll.u32 v14, $0x10;
	v36 =	vand.u32 $0xFFFF0000, v23;
	v37 =	vld.idx.msk [tilespmem:v10+s24+$0x0], $0xffff  }
0xbf: {  	v6 =	vsub.f32 v0, v6;
	v8 =	vsub.f32 v8, v15;
	v38 =	vand.u32 $0xFFFF0000, v1;
	v19 =	vld.idx.msk [tilespmem:v19+s31+$0x0], $0xffff  }
0xc0: {  	v0 =	vshll.u32 v23, $0x10;
	v10 =	vsub.f32 v32, v16;
	v15 =	vld.idx.msk [tilespmem:v11+s24+$0x0], $0xffff;
	v11 =	vsub.f32 v12, v33  }
0xc1: {  	v1 =	vshll.u32 v1, $0x10;
	v12 =	vsub.f32 v14, v20;
	v16 =	vld.idx.msk [tilespmem:v13+s24+$0x0], $0xffff;
	v13 =	vsub.f32 v34, v35  }
0xc2: {  	v23 =	vsub.f32 v36, v38;
	v20 =	vsub.f32 v0, v1;
	v0 =	vand.u32 $0xFFFF0000, v31  }
0xc3: {  	v14 =	vshll.u32 v17, $0x10;
	v17 =	vand.u32 $0xFFFF0000, v17;
	v1 =	vld.idx.msk [tilespmem:v21+s24+$0x0], $0xffff;
	v21 =	vshll.u32 v31, $0x10  }
0xc4: {  	v31 =	vshll.u32 v18, $0x10;
	v18 =	vand.u32 $0xFFFF0000, v18;
	v32 =	vshll.u32 v37, $0x10  }
0xc5: {  	v34 =	vand.u32 $0xFFFF0000, v37;
	v33 =	vshll.u32 v19, $0x10;
	v19 =	vand.u32 $0xFFFF0000, v19  }
0xc6: {  	v0 =	vsub.f32 v0, v34;
	v35 =	vshll.u32 v15, $0x10;
	v15 =	vand.u32 $0xFFFF0000, v15  }
0xc7: {  	v21 =	vsub.f32 v21, v32;
	v36 =	vand.u32 $0xFFFF0000, v16;
	v17 =	vsub.f32 v17, v15;
	v22 =	vld.idx.msk [tilespmem:v22+s1+$0x0], $0xffff  }
0xc8: {  	v37 =	vshll.u32 v16, $0x10;
	v14 =	vsub.f32 v14, v35;
	v18 =	vsub.f32 v18, v36;
	v25 =	vld.idx.msk [tilespmem:v25+s1+$0x0], $0xffff  }
0xc9: {  	v32 =	vsub.f32 $0.0e+00, v32;
	v31 =	vsub.f32 v31, v37;
	v38 =	vand.u32 $0xFFFF0000, v1;
	v24 =	vld.idx.msk [tilespmem:v24+s1+$0x0], $0xffff  }
0xca: {  	v34 =	vsub.f32 $0.0e+00, v34;
	v1 =	vshll.u32 v1, $0x10;
	v19 =	vsub.f32 v19, v38;
	v28 =	vld.idx.msk [tilespmem:v28+s1+$0x0], $0xffff  }
0xcb: {  	v35 =	vsub.f32 $0.0e+00, v35;
	v16 =	vor.u32 $0x1, v5;
	v33 =	vsub.f32 v33, v1;
	v27 =	vld.idx.msk [tilespmem:v27+s1+$0x0], $0xffff  }
0xcc: {  	v39 =	vor.u32 $0x1, v9;
	v15 =	vsub.f32 $0.0e+00, v15;
	v38 =	vsub.f32 $0.0e+00, v38;
	v26 =	vld.idx.msk [tilespmem:v26+s1+$0x0], $0xffff  }
0xcd: {  	v40 =	vor.u32 $0x1, v2;
	v36 =	vsub.f32 $0.0e+00, v36;
	v37 =	vsub.f32 $0.0e+00, v37;
	v30 =	vld.idx.msk [tilespmem:v30+s1+$0x0], $0xffff  }
0xce: {  	v1 =	vsub.f32 $0.0e+00, v1;
	v38 =	vmul.f32 $1.442695020e+00, v38;
	v0 =	vsub.f32 v22, v0;
	v29 =	vld.idx.msk [tilespmem:v29+s1+$0x0], $0xffff  }
0xcf: {  	v22 =	vmul.f32 $1.442695020e+00, v32;
	v21 =	vsub.f32 v25, v21;
	v17 =	vsub.f32 v24, v17  }
0xd0: {  	v1 =	vmul.f32 $1.442695020e+00, v1;
	v14 =	vsub.f32 v28, v14;
	(erf) = vpow2.f32 v38  }
0xd1: {  	v25 =	vmul.f32 $1.442695020e+00, v34;
	v24 =	vmul.f32 $1.442695020e+00, v35;
	v18 =	vsub.f32 v27, v18  }
0xd2: {  	v27 =	vmul.f32 $1.442695020e+00, v15;
	v26 =	vsub.f32 v26, v31;
	(erf) = vpow2.f32 v1  }
0xd3: {  	v28 =	vmul.f32 $1.442695020e+00, v37;
	v19 =	vsub.f32 v30, v19;
	(erf) = vpow2.f32 v22  }
0xd4: {  	v22 =	vsub.f32 v29, v33;
	v29 =	vmul.f32 $1.442695020e+00, v36;
	(erf) = vpow2.f32 v25  }
0xd5: {  	v0 =	vand.u32 $0x7FFFFFFF, v0;
	v1 =	vand.u32 $0x7FFFFFFF, v21;
	(erf) = vpow2.f32 v24  }
0xd6: {  	v15 =	vand.u32 $0x7FFFFFFF, v14;
	v14 =	vand.u32 $0x7FFFFFFF, v17;
	v21 =	vld.idx.msk [tilespmem:v2+s1+$0x0], $0xffff;
	(erf) = vpow2.f32 v27  }
0xd7: {  	v18 =	vand.u32 $0x7FFFFFFF, v18;
	v17 =	vand.u32 $0x7FFFFFFF, v26;
	(erf) = vpow2.f32 v28  }
0xd8: {  	v19 =	vand.u32 $0x7FFFFFFF, v19;
	v22 =	vand.u32 $0x7FFFFFFF, v22;
	v24 =	vld.idx.msk [tilespmem:v40+s1+$0x0], $0xffff;
	(erf) = vpow2.f32 v29  }
0xd9: {  	vm0 =	vlt.f32 v15, $1.000000000e+00;
	v25 =	vmul.f32 $5.000000000e-01, v14;
	v2 =	vadd.f32 $-5.000000000e-01, v14;
	v26 =	vpop (erf)  }
0xda: {  	v27 =	vadd.f32 $-5.000000000e-01, v15;
	v20 =	vmul.f32 v26, v20;
	v26 =	vmul.f32 $5.000000000e-01, v15  }
0xdb: {  	vm2 =	vlt.f32 v18, $1.000000000e+00;
	vm1 =	vlt.f32 v17, $1.000000000e+00;
	v28 =	vadd.f32 $-5.000000000e-01, v18;
	v29 =	vpop (erf)  }
0xdc: {  	v23 =	vmul.f32 v29, v23;
	v20 =	vsub.f32 v21, v20;
	v21 =	vadd.f32 $-5.000000000e-01, v17;
	v29 =	vpop (erf)  }
0xdd: {  	v31 =	vmul.f32 $5.000000000e-01, v18;
	v30 =	vmul.f32 $5.000000000e-01, v17;
	vm3 =	vlt.f32 v19, $1.000000000e+00;
	v32 =	vpop (erf)  }
0xde: {  	v20 =	vand.u32 $0x7FFFFFFF, v20;
	v23 =	vsub.f32 v24, v23;
	v24 =	vadd.f32 $-5.000000000e-01, v19;
	v9 =	vld.idx.msk [tilespmem:v9+s1+$0x0], $0xffff;
	v33 =	vpop (erf)  }
0xdf: {  	vm4 =	vlt.f32 v22, $1.000000000e+00;
	v35 =	vadd.f32 $-5.000000000e-01, v22;
	v34 =	vmul.f32 $5.000000000e-01, v20;
	v36 =	vpop (erf)  }
0xe0: {  	v38 =	vmul.f32 $5.000000000e-01, v19;
	v37 =	vmul.f32 $5.000000000e-01, v22;
	v23 =	vand.u32 $0x7FFFFFFF, v23;
	v39 =	vld.idx.msk [tilespmem:v39+s1+$0x0], $0xffff;
	v40 =	vpop (erf)  }
0xe1: {  	v41 =	vadd.f32 $-5.000000000e-01, v20;
	v34 =	vmul.f32 v34, v20;
	v42 =	vmul.f32 $5.000000000e-01, v23;
	v43 =	vpop (erf)  }
0xe2: {  	vm5 =	vlt.f32 v20, $1.000000000e+00;
	v13 =	vmul.f32 v40, v13;
	v12 =	vmul.f32 v43, v12  }
0xe3: {  	v40 =	vadd.f32 $-5.000000000e-01, v23;
	v20 =	vsel vm5, v34, v41;
	v34 =	vmul.f32 v42, v23  }
0xe4: {  	vm5 =	vlt.f32 v23, $1.000000000e+00;
	v7 =	vadd.f32 v20, v7;
	v9 =	vsub.f32 v9, v12  }
0xe5: {  	v19 =	vmul.f32 v38, v19;
	v20 =	vmul.f32 v37, v22;
	v12 =	vsel vm5, v34, v40  }
0xe6: {  	v7 =	vadd.f32 v7, v12;
	v9 =	vand.u32 $0x7FFFFFFF, v9;
	v12 =	vsub.f32 v39, v13;
	v5 =	vld.idx.msk [tilespmem:v5+s1+$0x0], $0xffff  }
0xe7: {  	v19 =	vsel vm3, v19, v24;
	v13 =	vsel vm4, v20, v35;
	v20 =	vmul.f32 $5.000000000e-01, v9  }
0xe8: {  	v11 =	vmul.f32 v33, v11;
	v7 =	vadd.f32 v7, v13;
	v12 =	vand.u32 $0x7FFFFFFF, v12;
	v13 =	vld.idx.msk [tilespmem:v16+s1+$0x0], $0xffff  }
0xe9: {  	v16 =	vmul.f32 v20, v9;
	v20 =	vadd.f32 $-5.000000000e-01, v9;
	v22 =	vmul.f32 $5.000000000e-01, v12  }
0xea: {  	vm3 =	vlt.f32 v9, $1.000000000e+00;
	v9 =	vmul.f32 v36, v10;
	v7 =	vadd.f32 v7, v19  }
0xeb: {  	v19 =	vadd.f32 $-5.000000000e-01, v12;
	v10 =	vsel vm3, v16, v20;
	v16 =	vmul.f32 v22, v12  }
0xec: {  	vm3 =	vlt.f32 v12, $1.000000000e+00;
	v5 =	vsub.f32 v5, v9;
	v7 =	vadd.f32 v10, v7  }
0xed: {  	v12 =	vmul.f32 v31, v18;
	v10 =	vmul.f32 v30, v17;
	v9 =	vsel vm3, v16, v19  }
0xee: {  	v5 =	vand.u32 $0x7FFFFFFF, v5;
	v7 =	vadd.f32 v7, v9;
	v9 =	vsub.f32 v13, v11;
	v3 =	vld.idx.msk [tilespmem:v3+s1+$0x0], $0xffff  }
0xef: {  	v10 =	vsel vm1, v10, v21;
	v11 =	vsel vm2, v12, v28;
	v12 =	vmul.f32 $5.000000000e-01, v5  }
0xf0: {  	v8 =	vmul.f32 v29, v8;
	v7 =	vadd.f32 v7, v10;
	v9 =	vand.u32 $0x7FFFFFFF, v9;
	v10 =	vld.idx.msk [tilespmem:v4+s1+$0x0], $0xffff  }
0xf1: {  	v4 =	vmul.f32 v12, v5;
	v12 =	vadd.f32 $-5.000000000e-01, v5;
	v13 =	vmul.f32 $5.000000000e-01, v9  }
0xf2: {  	vm1 =	vlt.f32 v5, $1.000000000e+00;
	v5 =	vmul.f32 v32, v6;
	v7 =	vadd.f32 v7, v11  }
.Ltmp0:
0xf3: {  	v4 =	vsel vm1, v4, v12;
	v11 =	vadd.f32 $-5.000000000e-01, v9;
	v6 =	vmul.f32 v13, v9;
	(pc) =	sbr.rel @p0 .LBB2_2-.Ltmp0, $4  }
0xf4: {  	vm1 =	vlt.f32 v9, $1.000000000e+00;
	v3 =	vsub.f32 v3, v5;
	v7 =	vadd.f32 v4, v7  }
0xf5: {  	v9 =	vmul.f32 v26, v15;
	v4 =	vmul.f32 v25, v14;
	v5 =	vsel vm1, v6, v11  }
0xf6: {  	v3 =	vand.u32 $0x7FFFFFFF, v3;
	v6 =	vsub.f32 v10, v8;
	v5 =	vadd.f32 v7, v5  }
0xf7: {  	s4 =	sadd.s32 $0x40, s4;
	v8 =	vsel vm0, v9, v27;
	vm0 =	vlt.f32 v14, $1.000000000e+00;
	v7 =	vmul.f32 $5.000000000e-01, v3  }
0xf8: {  	_ =	swait.ge [sflag:s30], $0x5590  }
0xf9: {  	[sflag:s30] =	ssyncset.done $0x0  }
0xfa: {  	[sflag:s30] =	ssyncadd.s32 $0xFFFFAA70  }
0xfb: {  	_ =	swait.ge [sflag:s30], $0x21D8  }
0xfc: {  	[sflag:s30] =	ssyncset.done $0x0  }
0xfd: {  	[sflag:s30] =	ssyncadd.s32 $0xFFFFDE28  }
0xfe: {  	_ =	swait.ge [sflag:s30], $0x960  }
0xff: {  	[sflag:s30] =	ssyncset.done $0x0  }
0x100: {  	[sflag:s30] =	ssyncadd.s32 $0xFFFFF6A0  }
0x101: {  	_ =	swait.ge [sflag:s30], $0x258  }
0x102: {  	[sflag:s30] =	ssyncset.done $0x0  }
0x103: {  	[sflag:s30] =	ssyncadd.s32 $0xFFFFFDA8  }
0x104: {  	_ =	swait.ge [sflag:s30], $0x90  }
0x105: {  	[sflag:s30] =	ssyncset.done $0x0  }
0x106: {  	[sflag:s30] =	ssyncadd.s32 $0xFFFFFF70  }
0x107: {  	_ =	swait.ge [sflag:s30], $0x10  }
0x108: {  	[sflag:s30] =	ssyncset.done $0x0  }
0x109: {  	[sflag:s30] =	ssyncadd.s32 $0xFFFFFFF0  }
0x10a: {  	_ =	swait.ge [sflag:s30], $0x200  }
0x10b: {  	[sflag:s30] =	ssyncset.done $0x0  }
0x10c: {  	[sflag:s30] =	ssyncadd.s32 $0xFFFFFE00  }
0x10d: {  	_ =	swait.ge [sflag:s30], $0x2000  }
0x10e: {  	[sflag:s30] =	ssyncset.done $0x0  }
0x10f: {  	[sflag:s30] =	ssyncadd.s32 $0xFFFFE000  }
0x110: {  	_ =	swait.ge [sflag:s30], $0x2000  }
0x111: {  	[sflag:s30] =	ssyncset.done $0x0  }
0x112: {  	v5 =	vadd.f32 v5, v8;
	v2 =	vsel vm0, v4, v2;
	v4 =	vand.u32 $0x7FFFFFFF, v6;
	s3 =	simm.s32 $0x16D80;
	[sflag:s30] =	ssyncadd.s32 $0xFFFFE000  }
0x113: {  	s0 =	simm.s32 $0x1AD80;
	v6 =	vmul.f32 v7, v3;
	v7 =	vadd.f32 $-5.000000000e-01, v3;
	v8 =	vmul.f32 $5.000000000e-01, v4;
	v9 =	vld [tilespmem:s3+$0x10]  }
0x114: {  	vm0 =	vlt.f32 v3, $1.000000000e+00;
	v3 =	vmul.f32 $5.000000000e-01, v1;
	v2 =	vadd.f32 v5, v2;
	v5 =	vld [tilespmem:s0+$0x10]  }
0x115: {  	v6 =	vsel vm0, v6, v7;
	v7 =	vmul.f32 v8, v4;
	v8 =	vadd.f32 $-5.000000000e-01, v4;
	v11 =	vld [tilespmem:s3+$0x0]  }
0x116: {  	vm0 =	vlt.f32 v4, $1.000000000e+00;
	v4 =	vadd.f32 $-5.000000000e-01, v1;
	v2 =	vadd.f32 v6, v2;
	v12 =	vld [tilespmem:s0+$0x0]  }
0x117: {  	v3 =	vmul.f32 v3, v1;
	v6 =	vsel vm0, v7, v8;
	v7 =	vmul.f32 $5.000000000e-01, v0;
	v8 =	vld [tilespmem:s3+$0xFFFFFFF0]  }
0x118: {  	vm0 =	vlt.f32 v1, $1.000000000e+00;
	v2 =	vadd.f32 v2, v6;
	v1 =	vld [tilespmem:s0+$0xFFFFFFF0]  }
0x119: {  	v3 =	vsel vm0, v3, v4;
	v6 =	vadd.f32 $-5.000000000e-01, v0;
	v4 =	vmul.f32 v7, v0;
	v13 =	vld [tilespmem:s0+$0xFFFFFFE0]  }
0x11a: {  	vm0 =	vlt.f32 v0, $1.000000000e+00;
	v2 =	vadd.f32 v2, v3;
	v14 =	vld [tilespmem:s3+$0xFFFFFFE0]  }
0x11b: {  	v0 =	vsel vm0, v4, v6  }
0x11c: {  	v7 =	vimm.f32 $0.0e+00;
	v0 =	vadd.f32 v2, v0;
	v15 =	vadd.s32 $0x100, v5;
	v2 =	vld.idx.msk [tilespmem:v9+s24+$0x0], $0xffff  }
0x11d: {  	v3 =	vshll.u32 v9, $0x2;
	v16 =	vadd.s32 $0x100, v12;
	v6 =	vshll.u32 v11, $0x2;
	v5 =	vld.idx.msk [tilespmem:v5+s2+$0x0], $0xffff  }
0x11e: {  	v18 =	vadd.s32 $0x100, v1;
	v10 =	vshll.u32 v8, $0x2;
	v19 =	vadd.s32 $0x100, v13;
	v17 =	vld.idx.msk [tilespmem:v11+s24+$0x0], $0xffff  }
0x11f: {  	v20 =	vshll.u32 v14, $0x2;
	v21 =	vadd.s32 $0x20F0, v11;
	v22 =	vadd.s32 $0x20F0, v14;
	v12 =	vld.idx.msk [tilespmem:v12+s2+$0x0], $0xffff  }
0x120: {  	v23 =	vadd.s32 $0x20F0, v8;
	v24 =	vor.u32 $0x3, v3;
	v25 =	vor.u32 $0x3, v6;
	v11 =	vld.idx.msk [tilespmem:v8+s24+$0x0], $0xffff  }
0x121: {  	v4 =	vor.u32 $0x1, v3;
	v26 =	vor.u32 $0x2, v3;
	v27 =	vor.u32 $0x2, v10;
	v1 =	vld.idx.msk [tilespmem:v1+s2+$0x0], $0xffff  }
0x122: {  	v28 =	vor.u32 $0x3, v10;
	v29 =	vor.u32 $0x2, v6;
	v30 =	vor.u32 $0x2, v20;
	v13 =	vld.idx.msk [tilespmem:v13+s2+$0x0], $0xffff  }
0x123: {  	v31 =	vor.u32 $0x3, v20;
	v62 =	vor.u32 $0x1, v10;
	v41 =	vor.u32 $0x1, v20  }
0x124: {  	v9 =	vadd.s32 $0x20F0, v9;
	v14 =	vld.idx.msk [tilespmem:v14+s24+$0x0], $0xffff;
	v32 =	vand.u32 $0xFFFF0000, v5;
	v5 =	vshll.u32 v5, $0x10  }
0x125: {  	v15 =	vld.idx.msk [tilespmem:v15+s2+$0x0], $0xffff;
	v8 =	vshll.u32 v2, $0x10;
	v2 =	vand.u32 $0xFFFF0000, v2;
	v33 =	vshll.u32 v12, $0x10  }
0x126: {  	v16 =	vld.idx.msk [tilespmem:v16+s2+$0x0], $0xffff;
	v12 =	vand.u32 $0xFFFF0000, v12;
	v34 =	vand.u32 $0xFFFF0000, v17;
	v35 =	vand.u32 $0xFFFF0000, v1  }
0x127: {  	v18 =	vld.idx.msk [tilespmem:v18+s2+$0x0], $0xffff;
	v36 =	vand.u32 $0xFFFF0000, v11;
	v17 =	vshll.u32 v17, $0x10;
	v37 =	vand.u32 $0xFFFF0000, v13  }
0x128: {  	v52 =	vld.idx.msk [tilespmem:v21+s24+$0x0], $0xffff;
	v1 =	vshll.u32 v1, $0x10;
	v38 =	vshll.u32 v11, $0x10;
	v8 =	vsub.f32 v5, v8  }
0x129: {  	v39 =	vld.idx.msk [tilespmem:v9+s24+$0x0], $0xffff;
	v40 =	vand.u32 $0xFFFF0000, v14;
	v9 =	vsub.f32 v32, v2;
	v11 =	vsub.f32 v33, v17  }
0x12a: {  	v22 =	vld.idx.msk [tilespmem:v22+s24+$0x0], $0xffff;
	v14 =	vshll.u32 v14, $0x10;
	v12 =	vsub.f32 v12, v34;
	v17 =	vsub.f32 v1, v38  }
0x12b: {  	v2 =	vld.idx.msk [tilespmem:v19+s2+$0x0], $0xffff;
	v5 =	vshll.u32 v13, $0x10;
	v19 =	vsub.f32 v35, v36;
	v53 =	vsub.f32 v37, v40  }
0x12c: {  	v25 =	vld.idx.msk [tilespmem:v25+s25+$0x0], $0xffff;
	v14 =	vsub.f32 v5, v14;
	v5 =	vand.u32 $0xFFFF0000, v15;
	v54 =	vshll.u32 v16, $0x10  }
0x12d: {  	v29 =	vld.idx.msk [tilespmem:v29+s25+$0x0], $0xffff;
	v16 =	vand.u32 $0xFFFF0000, v16;
	v15 =	vshll.u32 v15, $0x10;
	v55 =	vshll.u32 v18, $0x10  }
0x12e: {  	v18 =	vand.u32 $0xFFFF0000, v18;
	v59 =	vshll.u32 v52, $0x10;
	v13 =	vand.u32 $0xFFFF0000, v52  }
0x12f: {  	v1 =	vld.idx.msk [tilespmem:v23+s24+$0x0], $0xffff;
	v61 =	vand.u32 $0xFFFF0000, v22;
	v16 =	vsub.f32 v16, v13;
	v23 =	vsub.f32 v54, v59  }
0x130: {  	v22 =	vshll.u32 v22, $0x10;
	v36 =	vsub.f32 $0.0e+00, v59;
	v38 =	vsub.f32 $0.0e+00, v61  }
0x131: {  	v13 =	vsub.f32 $0.0e+00, v13;
	v56 =	vshll.u32 v39, $0x10;
	v58 =	vand.u32 $0xFFFF0000, v39  }
0x132: {  	v39 =	vor.u32 $0x1, v6;
	v16 =	vsub.f32 v25, v16;
	v23 =	vsub.f32 v29, v23  }
0x133: {  	v57 =	vshll.u32 v2, $0x10;
	v2 =	vand.u32 $0xFFFF0000, v2;
	v5 =	vsub.f32 v5, v58  }
0x134: {  	v24 =	vld.idx.msk [tilespmem:v24+s25+$0x0], $0xffff;
	v60 =	vand.u32 $0xFFFF0000, v1;
	v15 =	vsub.f32 v15, v56;
	v33 =	vsub.f32 $0.0e+00, v56  }
0x135: {  	v26 =	vld.idx.msk [tilespmem:v26+s25+$0x0], $0xffff;
	v1 =	vshll.u32 v1, $0x10;
	v35 =	vsub.f32 $0.0e+00, v58;
	v18 =	vsub.f32 v18, v60  }
0x136: {  	v28 =	vld.idx.msk [tilespmem:v28+s25+$0x0], $0xffff;
	v38 =	vmul.f32 $1.442695020e+00, v38;
	v32 =	vsub.f32 v55, v1;
	v2 =	vsub.f32 v2, v61  }
0x137: {  	v27 =	vld.idx.msk [tilespmem:v27+s25+$0x0], $0xffff;
	v43 =	vmul.f32 $1.442695020e+00, v36;
	v34 =	vsub.f32 v57, v22;
	v22 =	vsub.f32 $0.0e+00, v22  }
0x138: {  	v31 =	vld.idx.msk [tilespmem:v31+s25+$0x0], $0xffff;
	v13 =	vmul.f32 $1.442695020e+00, v13;
	v37 =	vsub.f32 $0.0e+00, v60;
	v1 =	vsub.f32 $0.0e+00, v1  }
0x139: {  	v63 =	vld.idx.msk [tilespmem:v30+s25+$0x0], $0xffff;
	(erf) = vpow2.f32 v38;
	v16 =	vand.u32 $0x7FFFFFFF, v16;
	v22 =	vmul.f32 $1.442695020e+00, v22  }
0x13a: {  	v5 =	vsub.f32 v24, v5;
	v42 =	vmul.f32 $1.442695020e+00, v33;
	v44 =	vmul.f32 $1.442695020e+00, v35  }
0x13b: {  	v15 =	vsub.f32 v26, v15;
	v25 =	vmul.f32 $5.000000000e-01, v16;
	(erf) = vpow2.f32 v22  }
0x13c: {  	v18 =	vsub.f32 v28, v18;
	v27 =	vsub.f32 v27, v32;
	(erf) = vpow2.f32 v42  }
0x13d: {  	v45 =	vsub.f32 v31, v2;
	v46 =	vmul.f32 $1.442695020e+00, v1;
	(erf) = vpow2.f32 v44  }
0x13e: {  	v24 =	vsub.f32 v63, v34;
	v47 =	vmul.f32 $1.442695020e+00, v37;
	(erf) = vpow2.f32 v43  }
0x13f: {  	v2 =	vand.u32 $0x7FFFFFFF, v15;
	v1 =	vand.u32 $0x7FFFFFFF, v5;
	(erf) = vpow2.f32 v13  }
0x140: {  	v48 =	vld.idx.msk [tilespmem:v20+s25+$0x0], $0xffff;
	v15 =	vand.u32 $0x7FFFFFFF, v23;
	v5 =	vadd.f32 $-5.000000000e-01, v16;
	(erf) = vpow2.f32 v46  }
0x141: {  	v20 =	vand.u32 $0x7FFFFFFF, v27;
	v18 =	vand.u32 $0x7FFFFFFF, v18;
	(erf) = vpow2.f32 v47  }
0x142: {  	v50 =	vld.idx.msk [tilespmem:v41+s25+$0x0], $0xffff;
	v49 =	vand.u32 $0x7FFFFFFF, v24;
	v22 =	vand.u32 $0x7FFFFFFF, v45;
	vm0 =	vlt.f32 v15, $1.000000000e+00;
	v51 =	vpop (erf)  }
0x143: {  	v26 =	vmul.f32 $5.000000000e-01, v15;
	v27 =	vadd.f32 $-5.000000000e-01, v15;
	v14 =	vmul.f32 v51, v14  }
0x144: {  	vm1 =	vlt.f32 v20, $1.000000000e+00;
	vm2 =	vlt.f32 v18, $1.000000000e+00;
	v28 =	vadd.f32 $-5.000000000e-01, v18;
	v52 =	vpop (erf)  }
0x145: {  	vm3 =	vlt.f32 v22, $1.000000000e+00;
	v13 =	vsub.f32 v48, v14;
	v21 =	vmul.f32 v52, v53;
	v29 =	vpop (erf)  }
0x146: {  	v30 =	vmul.f32 $5.000000000e-01, v20;
	v31 =	vmul.f32 $5.000000000e-01, v18;
	vm4 =	vlt.f32 v49, $1.000000000e+00;
	v32 =	vpop (erf)  }
0x147: {  	v58 =	vmul.f32 $5.000000000e-01, v49;
	v13 =	vand.u32 $0x7FFFFFFF, v13;
	v21 =	vsub.f32 v50, v21;
	v54 =	vpop (erf)  }
0x148: {  	v10 =	vld.idx.msk [tilespmem:v10+s25+$0x0], $0xffff;
	v56 =	vadd.f32 $-5.000000000e-01, v49;
	v59 =	vmul.f32 $5.000000000e-01, v22;
	v55 =	vmul.f32 $5.000000000e-01, v13;
	v57 =	vpop (erf)  }
0x149: {  	v47 =	vmul.f32 v58, v49;
	v58 =	vmul.f32 v31, v18;
	v21 =	vand.u32 $0x7FFFFFFF, v21;
	v60 =	vpop (erf)  }
0x14a: {  	v40 =	vld.idx.msk [tilespmem:v62+s25+$0x0], $0xffff;
	v42 =	vadd.f32 $-5.000000000e-01, v13;
	v34 =	vmul.f32 v55, v13;
	v43 =	vmul.f32 $5.000000000e-01, v21;
	v44 =	vpop (erf)  }
0x14b: {  	vm5 =	vlt.f32 v13, $1.000000000e+00;
	v62 =	vmul.f32 v60, v19;
	v61 =	vmul.f32 v44, v17  }
0x14c: {  	v63 =	vsel vm5, v34, v42;
	v45 =	vadd.f32 $-5.000000000e-01, v21;
	v44 =	vmul.f32 v43, v21  }
0x14d: {  	vm15 =	vlt.f32 v21, $1.000000000e+00;
	v7 =	vadd.f32 v63, v7;
	v10 =	vsub.f32 v10, v61  }
0x14e: {  	v48 =	vmul.f32 v59, v22;
	v53 =	vadd.f32 $-5.000000000e-01, v22;
	v46 =	vsel vm15, v44, v45  }
0x14f: {  	v49 =	vsub.f32 v40, v62;
	v7 =	vadd.f32 v7, v46;
	v10 =	vand.u32 $0x7FFFFFFF, v10  }
0x150: {  	v6 =	vld.idx.msk [tilespmem:v6+s25+$0x0], $0xffff;
	v50 =	vsel vm4, v47, v56;
	v51 =	vsel vm3, v48, v53;
	v52 =	vmul.f32 $5.000000000e-01, v10  }
0x151: {  	v12 =	vmul.f32 v54, v12;
	v13 =	vand.u32 $0x7FFFFFFF, v49;
	v7 =	vadd.f32 v7, v50  }
0x152: {  	v53 =	vld.idx.msk [tilespmem:v39+s25+$0x0], $0xffff;
	v55 =	vmul.f32 $5.000000000e-01, v13;
	v54 =	vadd.f32 $-5.000000000e-01, v10;
	v21 =	vmul.f32 v52, v10  }
0x153: {  	vm3 =	vlt.f32 v10, $1.000000000e+00;
	v10 =	vmul.f32 v57, v11;
	v7 =	vadd.f32 v7, v51  }
0x154: {  	v56 =	vmul.f32 v55, v13;
	v57 =	vadd.f32 $-5.000000000e-01, v13;
	v11 =	vsel vm3, v21, v54  }
0x155: {  	vm3 =	vlt.f32 v13, $1.000000000e+00;
	v6 =	vsub.f32 v6, v10;
	v7 =	vadd.f32 v11, v7  }
0x156: {  	v14 =	vadd.f32 $-5.000000000e-01, v20;
	v10 =	vsel vm3, v56, v57;
	v11 =	vmul.f32 v30, v20  }
0x157: {  	v6 =	vand.u32 $0x7FFFFFFF, v6;
	v7 =	vadd.f32 v7, v10;
	v10 =	vsub.f32 v53, v12  }
0x158: {  	v3 =	vld.idx.msk [tilespmem:v3+s25+$0x0], $0xffff;
	v59 =	vsel vm2, v58, v28;
	v11 =	vsel vm1, v11, v14;
	v60 =	vmul.f32 $5.000000000e-01, v6  }
0x159: {  	v9 =	vmul.f32 v29, v9;
	v7 =	vadd.f32 v7, v11;
	v10 =	vand.u32 $0x7FFFFFFF, v10  }
0x15a: {  	v61 =	vadd.f32 $-5.000000000e-01, v6;
	v11 =	vld.idx.msk [tilespmem:v4+s25+$0x0], $0xffff;
	v4 =	vmul.f32 v60, v6;
	v62 =	vmul.f32 $5.000000000e-01, v10  }
0x15b: {  	vm1 =	vlt.f32 v6, $1.000000000e+00;
	v6 =	vmul.f32 v32, v8;
	v7 =	vadd.f32 v7, v59  }
0x15c: {  	v63 =	vadd.f32 $-5.000000000e-01, v10;
	v4 =	vsel vm1, v4, v61;
	v8 =	vmul.f32 v62, v10  }
0x15d: {  	vm1 =	vlt.f32 v10, $1.000000000e+00;
	v3 =	vsub.f32 v3, v6;
	v7 =	vadd.f32 v4, v7  }
0x15e: {  	v4 =	vmul.f32 v25, v16;
	v6 =	vsel vm1, v8, v63;
	v8 =	vmul.f32 v26, v15  }
0x15f: {  	v3 =	vand.u32 $0x7FFFFFFF, v3;
	v6 =	vadd.f32 v7, v6;
	v7 =	vsub.f32 v11, v9  }
0x160: {  	s4 =	simm.s32 $0x16DC0;
	s3 =	simm.s32 $0x0;
	v9 =	vsel vm0, v8, v27;
	vm0 =	vlt.f32 v16, $1.000000000e+00;
	v8 =	vmul.f32 $5.000000000e-01, v3  }
.LBB2_4:
0x161: {  	v11 =	vld [tilespmem:s4+$0x10];
	v6 =	vadd.f32 v6, v9;
	v4 =	vsel vm0, v4, v5;
	v5 =	vand.u32 $0x7FFFFFFF, v7;
	s0 =	sadd.s32 $0x40, s0  }
0x162: {  	v9 =	vadd.f32 $-5.000000000e-01, v3;
	v7 =	vld [tilespmem:s0+$0x10];
	v8 =	vmul.f32 v8, v3;
	v10 =	vmul.f32 $5.000000000e-01, v5  }
0x163: {  	vm0 =	vlt.f32 v3, $1.000000000e+00;
	v3 =	vmul.f32 $5.000000000e-01, v2;
	v12 =	vld [tilespmem:s4+$0x0];
	v4 =	vadd.f32 v6, v4  }
0x164: {  	v13 =	vld [tilespmem:s0+$0x0];
	v6 =	vsel vm0, v8, v9;
	v8 =	vmul.f32 v10, v5;
	v9 =	vadd.f32 $-5.000000000e-01, v5  }
0x165: {  	vm0 =	vlt.f32 v5, $1.000000000e+00;
	v5 =	vadd.f32 $-5.000000000e-01, v2;
	v14 =	vld [tilespmem:s4+$0xFFFFFFF0];
	v4 =	vadd.f32 v6, v4  }
0x166: {  	v3 =	vmul.f32 v3, v2;
	v15 =	vld [tilespmem:s0+$0xFFFFFFF0];
	v6 =	vsel vm0, v8, v9;
	v8 =	vmul.f32 $5.000000000e-01, v1  }
0x167: {  	vm0 =	vlt.f32 v2, $1.000000000e+00;
	v9 =	vld [tilespmem:s0+$0xFFFFFFE0];
	v4 =	vadd.f32 v4, v6  }
0x168: {  	v3 =	vsel vm0, v3, v5;
	v6 =	vadd.f32 $-5.000000000e-01, v1;
	v2 =	vld [tilespmem:s4+$0xFFFFFFE0];
	v5 =	vmul.f32 v8, v1  }
0x169: {  	vm0 =	vlt.f32 v1, $1.000000000e+00;
	v16 =	vld.idx.msk [tilespmem:v11+s24+$0x0], $0xffff;
	v4 =	vadd.f32 v4, v3  }
0x16a: {  	v3 =	vshll.u32 v11, $0x2;
	v1 =	vld.idx.msk [tilespmem:v7+s2+$0x0], $0xffff;
	v7 =	vadd.s32 $0x100, v7;
	v5 =	vsel vm0, v5, v6  }
0x16b: {  	v18 =	vadd.s32 $0x100, v13;
	v6 =	vshll.u32 v12, $0x2;
	v17 =	vld.idx.msk [tilespmem:v12+s24+$0x0], $0xffff;
	v8 =	vadd.f32 v4, v5  }
0x16c: {  	v11 =	vadd.s32 $0x20F0, v11;
	v10 =	vshll.u32 v14, $0x2;
	v19 =	vadd.s32 $0x100, v15;
	v13 =	vld.idx.msk [tilespmem:v13+s2+$0x0], $0xffff  }
0x16d: {  	v12 =	vadd.s32 $0x20F0, v12;
	v20 =	vadd.s32 $0x100, v9;
	v5 =	vshll.u32 v2, $0x2;
	v21 =	vld.idx.msk [tilespmem:v14+s24+$0x0], $0xffff  }
0x16e: {  	v23 =	vor.u32 $0x3, v3;
	v22 =	vadd.s32 $0x20F0, v2;
	v14 =	vadd.s32 $0x20F0, v14;
	v15 =	vld.idx.msk [tilespmem:v15+s2+$0x0], $0xffff  }
0x16f: {  	v26 =	vor.u32 $0x2, v3;
	v25 =	vor.u32 $0x3, v6;
	v4 =	vor.u32 $0x1, v3;
	v24 =	vld.idx.msk [tilespmem:v9+s2+$0x0], $0xffff  }
0x170: {  	v27 =	vor.u32 $0x2, v10;
	v28 =	vor.u32 $0x3, v10;
	v29 =	vor.u32 $0x2, v6;
	v2 =	vld.idx.msk [tilespmem:v2+s24+$0x0], $0xffff  }
0x171: {  	v30 =	vor.u32 $0x2, v5;
	v31 =	vor.u32 $0x3, v5;
	v9 =	vand.u32 $0xFFFF0000, v1  }
0x172: {  	s3 =	sadd.s32 $0x4, s3;
	v1 =	vshll.u32 v1, $0x10;
	v32 =	vld.idx.msk [tilespmem:v7+s2+$0x0], $0xffff;
	v7 =	vshll.u32 v16, $0x10;
	v16 =	vand.u32 $0xFFFF0000, v16  }
0x173: {  	p0 =	slt.u32 s3, $0x1FC;
	v34 =	vand.u32 $0xFFFF0000, v17;
	v33 =	vshll.u32 v13, $0x10;
	v13 =	vand.u32 $0xFFFF0000, v13;
	v18 =	vld.idx.msk [tilespmem:v18+s2+$0x0], $0xffff  }
0x174: {  	v17 =	vshll.u32 v17, $0x10;
	v36 =	vand.u32 $0xFFFF0000, v21;
	v35 =	vand.u32 $0xFFFF0000, v15;
	v19 =	vld.idx.msk [tilespmem:v19+s2+$0x0], $0xffff  }
0x175: {  	v21 =	vshll.u32 v21, $0x10;
	v15 =	vshll.u32 v15, $0x10;
	v37 =	vand.u32 $0xFFFF0000, v24;
	v38 =	vld.idx.msk [tilespmem:v11+s24+$0x0], $0xffff  }
0x176: {  	v7 =	vsub.f32 v1, v7;
	v9 =	vsub.f32 v9, v16;
	v39 =	vand.u32 $0xFFFF0000, v2;
	v20 =	vld.idx.msk [tilespmem:v20+s2+$0x0], $0xffff  }
0x177: {  	v1 =	vshll.u32 v24, $0x10;
	v11 =	vsub.f32 v33, v17;
	v16 =	vld.idx.msk [tilespmem:v12+s24+$0x0], $0xffff;
	v12 =	vsub.f32 v13, v34  }
0x178: {  	v2 =	vshll.u32 v2, $0x10;
	v13 =	vsub.f32 v15, v21;
	v17 =	vld.idx.msk [tilespmem:v14+s24+$0x0], $0xffff;
	v14 =	vsub.f32 v35, v36  }
0x179: {  	v24 =	vsub.f32 v37, v39;
	v21 =	vsub.f32 v1, v2;
	v1 =	vand.u32 $0xFFFF0000, v32  }
0x17a: {  	v15 =	vshll.u32 v18, $0x10;
	v18 =	vand.u32 $0xFFFF0000, v18;
	v2 =	vld.idx.msk [tilespmem:v22+s24+$0x0], $0xffff;
	v22 =	vshll.u32 v32, $0x10  }
0x17b: {  	v32 =	vshll.u32 v19, $0x10;
	v19 =	vand.u32 $0xFFFF0000, v19;
	v33 =	vshll.u32 v38, $0x10  }
0x17c: {  	v35 =	vand.u32 $0xFFFF0000, v38;
	v34 =	vshll.u32 v20, $0x10;
	v20 =	vand.u32 $0xFFFF0000, v20  }
0x17d: {  	v1 =	vsub.f32 v1, v35;
	v36 =	vshll.u32 v16, $0x10;
	v16 =	vand.u32 $0xFFFF0000, v16  }
0x17e: {  	v22 =	vsub.f32 v22, v33;
	v37 =	vand.u32 $0xFFFF0000, v17;
	v18 =	vsub.f32 v18, v16;
	v23 =	vld.idx.msk [tilespmem:v23+s25+$0x0], $0xffff  }
0x17f: {  	v38 =	vshll.u32 v17, $0x10;
	v15 =	vsub.f32 v15, v36;
	v19 =	vsub.f32 v19, v37;
	v26 =	vld.idx.msk [tilespmem:v26+s25+$0x0], $0xffff  }
0x180: {  	v33 =	vsub.f32 $0.0e+00, v33;
	v32 =	vsub.f32 v32, v38;
	v39 =	vand.u32 $0xFFFF0000, v2;
	v25 =	vld.idx.msk [tilespmem:v25+s25+$0x0], $0xffff  }
0x181: {  	v35 =	vsub.f32 $0.0e+00, v35;
	v2 =	vshll.u32 v2, $0x10;
	v20 =	vsub.f32 v20, v39;
	v29 =	vld.idx.msk [tilespmem:v29+s25+$0x0], $0xffff  }
0x182: {  	v36 =	vsub.f32 $0.0e+00, v36;
	v17 =	vor.u32 $0x1, v6;
	v34 =	vsub.f32 v34, v2;
	v28 =	vld.idx.msk [tilespmem:v28+s25+$0x0], $0xffff  }
0x183: {  	v40 =	vor.u32 $0x1, v10;
	v16 =	vsub.f32 $0.0e+00, v16;
	v39 =	vsub.f32 $0.0e+00, v39;
	v27 =	vld.idx.msk [tilespmem:v27+s25+$0x0], $0xffff  }
0x184: {  	v41 =	vor.u32 $0x1, v5;
	v37 =	vsub.f32 $0.0e+00, v37;
	v38 =	vsub.f32 $0.0e+00, v38;
	v31 =	vld.idx.msk [tilespmem:v31+s25+$0x0], $0xffff  }
0x185: {  	v2 =	vsub.f32 $0.0e+00, v2;
	v39 =	vmul.f32 $1.442695020e+00, v39;
	v1 =	vsub.f32 v23, v1;
	v30 =	vld.idx.msk [tilespmem:v30+s25+$0x0], $0xffff  }
0x186: {  	v23 =	vmul.f32 $1.442695020e+00, v33;
	v22 =	vsub.f32 v26, v22;
	v18 =	vsub.f32 v25, v18  }
0x187: {  	v2 =	vmul.f32 $1.442695020e+00, v2;
	v15 =	vsub.f32 v29, v15;
	(erf) = vpow2.f32 v39  }
0x188: {  	v26 =	vmul.f32 $1.442695020e+00, v35;
	v25 =	vmul.f32 $1.442695020e+00, v36;
	v19 =	vsub.f32 v28, v19  }
0x189: {  	v28 =	vmul.f32 $1.442695020e+00, v16;
	v27 =	vsub.f32 v27, v32;
	(erf) = vpow2.f32 v2  }
0x18a: {  	v29 =	vmul.f32 $1.442695020e+00, v38;
	v20 =	vsub.f32 v31, v20;
	(erf) = vpow2.f32 v23  }
0x18b: {  	v23 =	vsub.f32 v30, v34;
	v30 =	vmul.f32 $1.442695020e+00, v37;
	(erf) = vpow2.f32 v26  }
0x18c: {  	v1 =	vand.u32 $0x7FFFFFFF, v1;
	v2 =	vand.u32 $0x7FFFFFFF, v22;
	(erf) = vpow2.f32 v25  }
0x18d: {  	v16 =	vand.u32 $0x7FFFFFFF, v15;
	v15 =	vand.u32 $0x7FFFFFFF, v18;
	v22 =	vld.idx.msk [tilespmem:v5+s25+$0x0], $0xffff;
	(erf) = vpow2.f32 v28  }
0x18e: {  	v19 =	vand.u32 $0x7FFFFFFF, v19;
	v18 =	vand.u32 $0x7FFFFFFF, v27;
	(erf) = vpow2.f32 v29  }
0x18f: {  	v20 =	vand.u32 $0x7FFFFFFF, v20;
	v23 =	vand.u32 $0x7FFFFFFF, v23;
	v25 =	vld.idx.msk [tilespmem:v41+s25+$0x0], $0xffff;
	(erf) = vpow2.f32 v30  }
0x190: {  	vm0 =	vlt.f32 v16, $1.000000000e+00;
	v26 =	vmul.f32 $5.000000000e-01, v15;
	v5 =	vadd.f32 $-5.000000000e-01, v15;
	v27 =	vpop (erf)  }
0x191: {  	v28 =	vadd.f32 $-5.000000000e-01, v16;
	v21 =	vmul.f32 v27, v21;
	v27 =	vmul.f32 $5.000000000e-01, v16  }
0x192: {  	vm2 =	vlt.f32 v19, $1.000000000e+00;
	vm1 =	vlt.f32 v18, $1.000000000e+00;
	v29 =	vadd.f32 $-5.000000000e-01, v19;
	v30 =	vpop (erf)  }
0x193: {  	v24 =	vmul.f32 v30, v24;
	v21 =	vsub.f32 v22, v21;
	v22 =	vadd.f32 $-5.000000000e-01, v18;
	v30 =	vpop (erf)  }
0x194: {  	v32 =	vmul.f32 $5.000000000e-01, v19;
	v31 =	vmul.f32 $5.000000000e-01, v18;
	vm3 =	vlt.f32 v20, $1.000000000e+00;
	v33 =	vpop (erf)  }
0x195: {  	v21 =	vand.u32 $0x7FFFFFFF, v21;
	v24 =	vsub.f32 v25, v24;
	v25 =	vadd.f32 $-5.000000000e-01, v20;
	v10 =	vld.idx.msk [tilespmem:v10+s25+$0x0], $0xffff;
	v34 =	vpop (erf)  }
0x196: {  	vm4 =	vlt.f32 v23, $1.000000000e+00;
	v36 =	vadd.f32 $-5.000000000e-01, v23;
	v35 =	vmul.f32 $5.000000000e-01, v21;
	v37 =	vpop (erf)  }
0x197: {  	v39 =	vmul.f32 $5.000000000e-01, v20;
	v38 =	vmul.f32 $5.000000000e-01, v23;
	v24 =	vand.u32 $0x7FFFFFFF, v24;
	v40 =	vld.idx.msk [tilespmem:v40+s25+$0x0], $0xffff;
	v41 =	vpop (erf)  }
0x198: {  	v42 =	vadd.f32 $-5.000000000e-01, v21;
	v35 =	vmul.f32 v35, v21;
	v43 =	vmul.f32 $5.000000000e-01, v24;
	v44 =	vpop (erf)  }
0x199: {  	vm5 =	vlt.f32 v21, $1.000000000e+00;
	v14 =	vmul.f32 v41, v14;
	v13 =	vmul.f32 v44, v13  }
0x19a: {  	v41 =	vadd.f32 $-5.000000000e-01, v24;
	v21 =	vsel vm5, v35, v42;
	v35 =	vmul.f32 v43, v24  }
0x19b: {  	vm5 =	vlt.f32 v24, $1.000000000e+00;
	v8 =	vadd.f32 v21, v8;
	v10 =	vsub.f32 v10, v13  }
0x19c: {  	v20 =	vmul.f32 v39, v20;
	v21 =	vmul.f32 v38, v23;
	v13 =	vsel vm5, v35, v41  }
0x19d: {  	v8 =	vadd.f32 v8, v13;
	v10 =	vand.u32 $0x7FFFFFFF, v10;
	v13 =	vsub.f32 v40, v14;
	v6 =	vld.idx.msk [tilespmem:v6+s25+$0x0], $0xffff  }
0x19e: {  	v20 =	vsel vm3, v20, v25;
	v14 =	vsel vm4, v21, v36;
	v21 =	vmul.f32 $5.000000000e-01, v10  }
0x19f: {  	v12 =	vmul.f32 v34, v12;
	v8 =	vadd.f32 v8, v14;
	v13 =	vand.u32 $0x7FFFFFFF, v13;
	v14 =	vld.idx.msk [tilespmem:v17+s25+$0x0], $0xffff  }
0x1a0: {  	v17 =	vmul.f32 v21, v10;
	v21 =	vadd.f32 $-5.000000000e-01, v10;
	v23 =	vmul.f32 $5.000000000e-01, v13  }
0x1a1: {  	vm3 =	vlt.f32 v10, $1.000000000e+00;
	v10 =	vmul.f32 v37, v11;
	v8 =	vadd.f32 v8, v20  }
0x1a2: {  	v20 =	vadd.f32 $-5.000000000e-01, v13;
	v11 =	vsel vm3, v17, v21;
	v17 =	vmul.f32 v23, v13  }
0x1a3: {  	vm3 =	vlt.f32 v13, $1.000000000e+00;
	v6 =	vsub.f32 v6, v10;
	v8 =	vadd.f32 v11, v8  }
0x1a4: {  	v13 =	vmul.f32 v32, v19;
	v11 =	vmul.f32 v31, v18;
	v10 =	vsel vm3, v17, v20  }
0x1a5: {  	v6 =	vand.u32 $0x7FFFFFFF, v6;
	v8 =	vadd.f32 v8, v10;
	v10 =	vsub.f32 v14, v12;
	v3 =	vld.idx.msk [tilespmem:v3+s25+$0x0], $0xffff  }
0x1a6: {  	v11 =	vsel vm1, v11, v22;
	v12 =	vsel vm2, v13, v29;
	v13 =	vmul.f32 $5.000000000e-01, v6  }
0x1a7: {  	v9 =	vmul.f32 v30, v9;
	v8 =	vadd.f32 v8, v11;
	v10 =	vand.u32 $0x7FFFFFFF, v10;
	v11 =	vld.idx.msk [tilespmem:v4+s25+$0x0], $0xffff  }
0x1a8: {  	v4 =	vmul.f32 v13, v6;
	v13 =	vadd.f32 $-5.000000000e-01, v6;
	v14 =	vmul.f32 $5.000000000e-01, v10  }
0x1a9: {  	vm1 =	vlt.f32 v6, $1.000000000e+00;
	v6 =	vmul.f32 v33, v7;
	v8 =	vadd.f32 v8, v12  }
.Ltmp1:
0x1aa: {  	v4 =	vsel vm1, v4, v13;
	v12 =	vadd.f32 $-5.000000000e-01, v10;
	v7 =	vmul.f32 v14, v10;
	(pc) =	sbr.rel @p0 .LBB2_4-.Ltmp1, $4  }
0x1ab: {  	vm1 =	vlt.f32 v10, $1.000000000e+00;
	v3 =	vsub.f32 v3, v6;
	v8 =	vadd.f32 v4, v8  }
0x1ac: {  	v10 =	vmul.f32 v27, v16;
	v4 =	vmul.f32 v26, v15;
	v6 =	vsel vm1, v7, v12  }
0x1ad: {  	v3 =	vand.u32 $0x7FFFFFFF, v3;
	v7 =	vsub.f32 v11, v9;
	v6 =	vadd.f32 v8, v6  }
0x1ae: {  	s4 =	sadd.s32 $0x40, s4;
	v9 =	vsel vm0, v10, v28;
	vm0 =	vlt.f32 v15, $1.000000000e+00;
	v8 =	vmul.f32 $5.000000000e-01, v3  }
0x1af: {  	v6 =	vadd.f32 v6, v9;
	v4 =	vsel vm0, v4, v5;
	v51 =	vand.u32 $0x7FFFFFFF, v7  }
0x1b0: {  	v53 =	vadd.f32 $-5.000000000e-01, v3;
	v52 =	vmul.f32 v8, v3;
	v54 =	vmul.f32 $5.000000000e-01, v51  }
0x1b1: {  	vm12 =	vlt.f32 v3, $1.000000000e+00;
	v55 =	vmul.f32 $5.000000000e-01, v2;
	v4 =	vadd.f32 v6, v4  }
0x1b2: {  	v58 =	vadd.f32 $-5.000000000e-01, v51;
	v56 =	vsel vm12, v52, v53;
	v57 =	vmul.f32 v54, v51  }
0x1b3: {  	v59 =	vadd.f32 $-5.000000000e-01, v2;
	vm13 =	vlt.f32 v51, $1.000000000e+00;
	v4 =	vadd.f32 v56, v4  }
0x1b4: {  	v61 =	vmul.f32 $5.000000000e-01, v1;
	v3 =	vmul.f32 v55, v2;
	v60 =	vsel vm13, v57, v58  }
0x1b5: {  	vm14 =	vlt.f32 v2, $1.000000000e+00;
	v4 =	vadd.f32 v4, v60  }
0x1b6: {  	v63 =	vadd.f32 $-5.000000000e-01, v1;
	v62 =	vmul.f32 v61, v1;
	v2 =	vsel vm14, v3, v59  }
0x1b7: {  	vm15 =	vlt.f32 v1, $1.000000000e+00;
	v2 =	vadd.f32 v4, v2  }
0x1b8: {  	v1 =	vsel vm15, v62, v63  }
0x1b9: {  	v1 =	vadd.f32 v2, v1;
	_ =	sdelay $0x1  }
0x1ba: {  	s28 =	sadd.s32 $0x1, s28;
	v0 =	vadd.f32 v1, v0  }
0x1bb: {  	p0 =	sne.s32 s28, s23  }
.Ltmp2:
0x1bc: {  	s0 =	simm.s32 $0x1CD60;
	[tilespmem:$0x1CD60] =	vst v0;
	(pc) =	sbr.rel @p0 .LBB2_1-.Ltmp2, $4  }
0x1bd: {  	[hbm4b:s22+s1] =	stream.linear.scatter [tilespmem:s0], [sflag:$0x3], $0x10, $0x38;
	[tilespmem:$0x1CD70] =	vst v63  }
0x1be: {  	_ =	swait.ge [sflag:s26], $0x10  }
0x1bf: {  	[sflag:s26] =	ssyncset.done $0x0  }
0x1c0: {  	[sflag:s26] =	ssyncadd.s32 $0xFFFFFFF0  }
0x1c1: {  	_ =	sfence.sel $0x180000  }
0x1c2: {  	[bflag:$0x0] =	sbarrier.arrive $0xFFFF  }
0x1c3: {  	_ =	strace $0x90000047  }
0x1c4: {  	s0 =	stileid.u32;
	[bflag:$0x2] =	sbarrier.arrive $0xFFFF  }
0x1c5: {  	p0 =	sne.s32 s0, $0x0;
	s0 =	rddreg [dreg:$0x1]  }
0x1c6: {  	s0 =	sadd.s32 @!p0 $0x100000, s0  }
0x1c7: {  	[sflag:s0] =	ssyncadd.tile.s32 @!p0 $0x1;
	_ =	shalt  }
.Lfunc_end2:
_tile_overlayer_lowered:
.L_overlay_start_2:
0x1c8: {  	(tag) =	ssettag $0x2  }
0x1c9: {  	s0 =	rddreg [dreg:$0x0];
	s2 =	stileid.u32  }
0x1ca: {  	s1 =	rddreg [dreg:$0x1];
	p0 =	sne.s32 s2, $0x0  }
0x1cb: {  	s3 =	rddreg [dreg:$0x2];
	[bflag:$0x3] =	sbarrier.arrive $0xFFFF;
	s2 =	simm.s32 @!p0 $0x1C03  }
0x1cc: {  	[timem:s3], [sflag:s2] =	dma.local @!p0 [hbm:s0], s1  }
0x1cd: {  	s0 =	simm.s32 @!p0 $0x3  }
0x1ce: {  	_ =	swait.ge @!p0 [sflag:s0], s1  }
0x1cf: {  	s1 =	ssub.s32 @!p0 $0x0, s1;
	[sflag:s0] =	ssyncset.done @!p0 $0x0  }
0x1d0: {  	[sflag:s0] =	ssyncadd.s32 @!p0 s1  }
0x1d1: {  	[bflag:$0x3] =	sbarrier.arrive $0xFFFF  }
0x1d2: {  	_ =	shalt  }

</sc_bundles>
